<compile_context>
chip_gen: v7x
topology: tpu7x:2x2x1
jax: 0.10.2.dev20260603
libtpu: 0.0.44.dev20260713+nightly
codegen_flags: <defaults>
</compile_context>

<pallas_src>
import functools

import jax
import jax.numpy as jnp
from jax import lax
from jax.experimental import pallas as pl
from jax.experimental.pallas import tpu as pltpu
from jax.experimental.pallas import tpu_sc as plsc

_RANK = 128
_NTAB = 512
_NIDS = 500
_B = 4096
_L = 5
_SCALE = 1.0 / (_RANK ** 0.5)

_NC = 2
_NS = 16
_NW = _NC * _NS
_BPW = _B // _NW


def _softplus(v):
    return jnp.maximum(v, 0.0) + jnp.log(1.0 + jnp.exp(-jnp.abs(v)))


def _tables_body(nb10_ref, emb0a_ref, emb1_ref, nvec_ref,
                 ab_ref, mnp_ref, fcmn_ref, fcmnb_ref, pos_ref, pvec_ref,
                 fc1w_ref, fc1b_ref, fc2w_ref, fc2b_ref, fc3w_ref,
                 fc3b_ref, lng_ref, lnb_ref, t0_ref, t1_ref, cab_ref):
    f32 = jnp.float32
    n1 = _NIDS + 1
    emb0a = emb0a_ref[...]
    emb1a = emb1_ref[:, 0:_RANK]

    cab_ref[n1:_NTAB, :] = jnp.zeros((_NTAB - n1, 2), dtype=f32)
    cab_ref[0:n1, 0:1] = (
        jnp.sum(nvec_ref[...] * emb1a, axis=1, keepdims=True) * _SCALE)
    cab_ref[0:n1, 1:2] = _softplus(ab_ref[...])
    cab = cab_ref[...]

    ids = lax.broadcasted_iota(jnp.int32, (_NTAB, _NTAB), 1)

    logits = []
    ab_terms = []
    for j in range(_L):
        ohr = (nb10_ref[:, 2 * j + 1:2 * j + 2] == ids).astype(f32)
        g = jnp.dot(ohr, cab, preferred_element_type=f32)
        logits.append(g[:, 0:1])
        ab_terms.append(g[:, 1:2])

    m = logits[0]
    for j in range(1, _L):
        m = jnp.maximum(m, logits[j])
    exps = [jnp.exp(lg - m) for lg in logits]
    z = exps[0]
    for j in range(1, _L):
        z = z + exps[j]

    wmat = jnp.zeros((_NTAB, _NTAB), dtype=f32)
    for j in range(_L):
        ohe = (nb10_ref[:, 2 * j:2 * j + 1] == ids)
        wmat = wmat + jnp.where(ohe, exps[j] / z, 0.0)
    att = jnp.dot(wmat, emb0a, preferred_element_type=f32)
    ab_mean = ab_terms[0]
    for j in range(1, _L):
        ab_mean = ab_mean + ab_terms[j]
    ab_mean = ab_mean * (1.0 / _L)

    def _dot_t(a, w):
        return lax.dot_general(a, w, (((1,), (1,)), ((), ())),
                               preferred_element_type=f32)

    p = pos_ref[...] * pvec_ref[...] * _SCALE
    h = _dot_t(p, fc1w_ref[...]) + fc1b_ref[...]
    h = _dot_t(h, fc2w_ref[...]) + fc2b_ref[...]
    mu = jnp.mean(h, axis=-1, keepdims=True)
    var = jnp.mean((h - mu) ** 2, axis=-1, keepdims=True)
    hn = (h - mu) / jnp.sqrt(var + 1e-5) * lng_ref[...] + lnb_ref[...]
    npt = _dot_t(hn, fc3w_ref[...]) + fc3b_ref[...]

    s = (_softplus(mnp_ref[0:_NIDS, :]) *
         _softplus(fcmn_ref[...] + fcmnb_ref[...]))

    t0_ref[:, 0:_RANK] = att * ab_mean
    t0_ref[:, _RANK:2 * _RANK] = npt
    t0_ref[:, 2 * _RANK:3 * _RANK] = emb0a
    t1_ref[0:n1, 0:_RANK] = emb1a
    t1_ref[0:_NIDS, _RANK:_RANK + 16] = jnp.broadcast_to(s, (_NIDS, 16))


def _make_tables(nb10, emb0a, emb1_w, nvec, ab, mnp, fcmn, fcmnb,
                 pos, pvec, fc1_w, fc1b, fc2_w, fc2b, fc3_w, fc3b, lng, lnb):
    return pl.pallas_call(
        _tables_body,
        out_shape=[
            jax.ShapeDtypeStruct((_NTAB, 3 * _RANK), jnp.float32),
            jax.ShapeDtypeStruct((_NTAB, 2 * _RANK), jnp.float32),
        ],
        scratch_shapes=[pltpu.VMEM((_NTAB, 2), jnp.float32)],
    )(nb10, emb0a, emb1_w, nvec, ab, mnp, fcmn, fcmnb,
      pos, pvec, fc1_w, fc1b, fc2_w, fc2b, fc3_w, fc3b, lng, lnb)


@functools.lru_cache(maxsize=1)
def _get_combine():
    @functools.partial(
        pl.kernel,
        out_type=jax.ShapeDtypeStruct((_B, _RANK), jnp.float32),
        mesh=plsc.VectorSubcoreMesh(core_axis_name="c", subcore_axis_name="s"),
        scratch_types=[
            pltpu.VMEM((_BPW,), jnp.int32),
            pltpu.VMEM((_BPW,), jnp.int32),
            pltpu.VMEM((_BPW, 3 * _RANK), jnp.float32),
            pltpu.VMEM((_BPW, 2 * _RANK), jnp.float32),
            pltpu.VMEM((_BPW, _RANK), jnp.float32),
            pltpu.SemaphoreType.DMA,
            pltpu.SemaphoreType.DMA,
        ],
    )
    def _combine(t0_hbm, t1_hbm, x0_hbm, x1_hbm, out_hbm,
                 idx0_v, idx1_v, r0_v, r1_v, out_v, sem0, sem1):
        wid = lax.axis_index("s") * _NC + lax.axis_index("c")
        base = wid * _BPW
        pltpu.sync_copy(x0_hbm.at[pl.ds(base, _BPW)], idx0_v)
        pltpu.sync_copy(x1_hbm.at[pl.ds(base, _BPW)], idx1_v)
        cp0 = pltpu.async_copy(t0_hbm.at[idx0_v], r0_v, sem0)
        cp1 = pltpu.async_copy(t1_hbm.at[idx1_v], r1_v, sem1)
        cp0.wait()
        cp1.wait()

        @plsc.parallel_loop(0, _BPW, unroll=4)
        def _(i):
            sv = r1_v[i, pl.ds(_RANK, 16)]
            for cidx in range(_RANK // 16):
                a = r0_v[i, pl.ds(cidx * 16, 16)]
                n = r0_v[i, pl.ds(_RANK + cidx * 16, 16)]
                l = r0_v[i, pl.ds(2 * _RANK + cidx * 16, 16)]
                r = r1_v[i, pl.ds(cidx * 16, 16)]
                out_v[i, pl.ds(cidx * 16, 16)] = a + n * sv + l * r

        pltpu.sync_copy(out_v, out_hbm.at[pl.ds(base, _BPW)])

    return _combine


def kernel(x, neighbors, position, emb0_w, emb1_w, emb10_w, emb11_w,
           neighbor_vec_w, position_vec_w, ab_param, mn_param,
           fc1_w, fc1_b, fc2_w, fc2_b, fc3_w, fc3_b, ln_g, ln_b,
           fc_mn_w, fc_mn_b):
    x0 = x[:, 0]
    x1 = x[:, 1]
    nb10 = neighbors[:_NTAB].reshape(_NTAB, 2 * _L)
    emb0a = emb0_w[:_NTAB, :_RANK]
    mnp = mn_param[:_NTAB]
    fcmn = fc_mn_w[0][:, None]
    fcmnb = fc_mn_b[None]
    pos = position[:_NTAB]
    pvec = position_vec_w[:_NTAB]

    t0, t1 = _make_tables(
        nb10, emb0a, emb1_w, neighbor_vec_w, ab_param, mnp,
        fcmn, fcmnb, pos, pvec, fc1_w, fc1_b[None], fc2_w, fc2_b[None],
        fc3_w, fc3_b[None], ln_g[None], ln_b[None])

    return _get_combine()(t0, t1, x0, x1)

# --- scband reference (transcript-rebuilt; emitter-appended) ---
"""Pipeline reference for scband-gie-8675833938144 (READ-ONLY COPY).

The authoritative reference and input builder live on the scoring server;
editing this copy changes nothing except your own understanding.
"""

import jax, jax.numpy as jnp
import numpy as np

N_ENT = 100000
N_REL = 500
RANK = 128
INPUT_SIZE = 600
B = 4096
L = 5
SCALE = 1.0 / np.sqrt(RANK)


def _fwd(x, neighbors, position, emb0_w, emb1_w, emb10_w, emb11_w, neighbor_vec_w, position_vec_w, ab_param, mn_param, fc1_w, fc1_b, fc2_w, fc2_b, fc3_w, fc3_b, ln_g, ln_b, fc_mn_w, fc_mn_b):
    x0, x1, x2 = x[:, 0], x[:, 1], x[:, 2]
    lhs = emb0_w[x0]
    rel = emb1_w[x1]
    rhs = emb0_w[x2]
    rel1 = emb10_w[x1][:, :RANK]
    rel2 = emb11_w[x1][:, :RANK]
    lhs_a, lhs_b = lhs[:, :RANK], lhs[:, RANK:]
    rel_a, rel_b = rel[:, :RANK], rel[:, RANK:]
    nb = neighbors[x0][:, 0:L, :]
    nb_e = nb[:, :, 0]
    nb_r = nb[:, :, 1]
    neighbor_entity = jax.lax.stop_gradient(emb0_w[nb_e][:, :, :RANK])
    neighbor_rel = jax.lax.stop_gradient(emb1_w[nb_r][:, :, :RANK])
    nvec = neighbor_vec_w[nb_r]
    att_logits = jnp.sum(nvec * neighbor_rel * SCALE, axis=-1, keepdims=True)
    att_weights = jax.nn.softmax(att_logits, axis=1)
    att_n = jnp.sum(att_weights * neighbor_entity, axis=1)
    ab = jnp.mean(jax.nn.softplus(ab_param[nb_r]), axis=1)
    node_position = position[x0] * position_vec_w[x0] * SCALE
    h = node_position @ fc1_w.T + fc1_b
    h = h @ fc2_w.T + fc2_b
    mu = jnp.mean(h, axis=-1, keepdims=True)
    var = jnp.mean((h - mu) ** 2, axis=-1, keepdims=True)
    hn = (h - mu) / jnp.sqrt(var + 1e-5) * ln_g + ln_b
    node_pos = hn @ fc3_w.T + fc3_b
    mn = jax.nn.softplus(mn_param[x1])
    one_hot = jax.nn.one_hot(x1, N_REL, dtype=jnp.float32)
    mn_ = jax.nn.softplus(one_hot @ fc_mn_w.T + fc_mn_b)
    out = att_n * ab + node_pos * mn * mn_ + lhs_a * rel_a
    return out


def setup_inputs(seed: int = 0):
    key = jax.random.key(seed)
    ks = jax.random.split(key, 16)
    x = jax.random.randint(ks[0], (B, 3), 0, 500, dtype=jnp.int32)
    neighbors = jax.random.randint(ks[1], (N_ENT, L, 2), 0, 500, dtype=jnp.int32)
    position = jax.random.normal(ks[2], (N_ENT, INPUT_SIZE), dtype=jnp.float32)
    emb0_w = 0.001 * jax.random.normal(ks[3], (N_ENT, 2 * RANK), dtype=jnp.float32)
    emb1_w = 0.001 * jax.random.normal(ks[4], (N_REL + 1, 2 * RANK), dtype=jnp.float32)
    emb10_w = 0.001 * jax.random.normal(ks[5], (N_ENT + 1, 2 * RANK), dtype=jnp.float32)
    emb11_w = 0.001 * jax.random.normal(ks[6], (N_REL + 1, 2 * RANK), dtype=jnp.float32)
    neighbor_vec_w = 0.001 * jax.random.normal(ks[7], (N_REL + 1, RANK), dtype=jnp.float32)
    position_vec_w = 0.001 * jax.random.normal(ks[8], (N_ENT, INPUT_SIZE), dtype=jnp.float32)
    ab_param = jnp.ones((N_REL + 1, 1), dtype=jnp.float32)
    mn_param = jnp.ones((N_ENT + 1, 1), dtype=jnp.float32)
    fc1_w = 0.02 * jax.random.normal(ks[9], (RANK, INPUT_SIZE), dtype=jnp.float32)
    fc1_b = jnp.zeros((RANK,), dtype=jnp.float32)
    fc2_w = 0.02 * jax.random.normal(ks[10], (RANK, RANK), dtype=jnp.float32)
    fc2_b = jnp.zeros((RANK,), dtype=jnp.float32)
    fc3_w = 0.02 * jax.random.normal(ks[11], (RANK, RANK), dtype=jnp.float32)
    fc3_b = jnp.zeros((RANK,), dtype=jnp.float32)
    ln_g = jnp.ones((RANK,), dtype=jnp.float32)
    ln_b = jnp.zeros((RANK,), dtype=jnp.float32)
    fc_mn_w = 0.02 * jax.random.normal(ks[12], (1, N_REL), dtype=jnp.float32)
    fc_mn_b = jnp.zeros((1,), dtype=jnp.float32)
    return {"x": x, "neighbors": neighbors, "position": position, "emb0_w": emb0_w, "emb1_w": emb1_w, "emb10_w": emb10_w, "emb11_w": emb11_w, "neighbor_vec_w": neighbor_vec_w, "position_vec_w": position_vec_w, "ab_param": ab_param, "mn_param": mn_param, "fc1_w": fc1_w, "fc1_b": fc1_b, "fc2_w": fc2_w, "fc2_b": fc2_b, "fc3_w": fc3_w, "fc3_b": fc3_b, "ln_g": ln_g, "ln_b": ln_b, "fc_mn_w": fc_mn_w, "fc_mn_b": fc_mn_b}


def reference(x, neighbors, position, emb0_w, emb1_w, emb10_w, emb11_w, neighbor_vec_w, position_vec_w, ab_param, mn_param, fc1_w, fc1_b, fc2_w, fc2_b, fc3_w, fc3_b, ln_g, ln_b, fc_mn_w, fc_mn_b):
    return _fwd(x, neighbors, position, emb0_w, emb1_w, emb10_w, emb11_w, neighbor_vec_w, position_vec_w, ab_param, mn_param, fc1_w, fc1_b, fc2_w, fc2_b, fc3_w, fc3_b, ln_g, ln_b, fc_mn_w, fc_mn_b)

if __name__ == "__main__":
    import jax
    _d = setup_inputs()
    print(jax.jit(kernel)(*tuple(_d.values())))

</pallas_src>

<mosaic_0001>
#map = affine_map<(d0, d1) -> (0, 0)>
#map1 = affine_map<(d0, d1) -> (0)>
module attributes {stable_mosaic.version = 14 : i64} {
  func.func @_combine(%arg0: i32, %arg1: i32, %arg2: memref<512x384xf32, #tpu.memory_space<hbm>>, %arg3: memref<512x256xf32, #tpu.memory_space<hbm>>, %arg4: memref<4096xi32, #tpu.memory_space<hbm>>, %arg5: memref<4096xi32, #tpu.memory_space<hbm>>, %arg6: memref<4096x128xf32, #tpu.memory_space<hbm>>, %arg7: memref<128xi32, #tpu.memory_space<vmem>>, %arg8: memref<128xi32, #tpu.memory_space<vmem>>, %arg9: memref<128x384xf32, #tpu.memory_space<vmem>>, %arg10: memref<128x256xf32, #tpu.memory_space<vmem>>, %arg11: memref<128x128xf32, #tpu.memory_space<vmem>>, %arg12: memref<!tpu.dma_semaphore, #tpu.memory_space<semaphore_mem>>, %arg13: memref<!tpu.dma_semaphore, #tpu.memory_space<semaphore_mem>>) attributes {dimension_semantics = [#tpu.dimension_semantics<core_parallel>, #tpu.dimension_semantics<subcore_parallel>], iteration_bounds = array<i64: 2, 16>, scalar_prefetch = 0 : i64, scratch_operands = 7 : i64, tpu.core_type = #tpu.core_type<sc_vector_subcore>, window_params = [{transform_indices = #map}, {transform_indices = #map}, {transform_indices = #map1}, {transform_indices = #map1}, {transform_indices = #map}]} {
    %mul3A = arith.constant 2 : i32
    %mul3A_0 = arith.muli %arg1, %mul3A : i32
    %add3A = arith.addi %mul3A_0, %arg0 : i32
    %mul3A_1 = arith.constant 128 : i32
    %mul3A_2 = arith.muli %add3A, %mul3A_1 : i32
    "tpu.region"() ({
      %run_scoped3A = tpu.sem_alloc : memref<!tpu.dma_semaphore, #tpu.memory_space<semaphore_mem>>
      %dma_start3A_15 = tpu.memref_slice %arg4[%mul3A_2] : memref<4096xi32, #tpu.memory_space<hbm>> -> memref<128xi32, #tpu.memory_space<hbm>>
      %dma_start3A_16 = tpu.memref_slice %arg4[%mul3A_2] : memref<4096xi32, #tpu.memory_space<hbm>> -> memref<128xi32, #tpu.memory_space<hbm>>
      tpu.enqueue_dma source(%dma_start3A_16 : memref<128xi32, #tpu.memory_space<hbm>>) target(%arg7 : memref<128xi32, #tpu.memory_space<vmem>>) target_semaphore(%run_scoped3A : memref<!tpu.dma_semaphore, #tpu.memory_space<semaphore_mem>>)
      %dma_wait3A_17 = tpu.memref_slice %arg4[%mul3A_2] : memref<4096xi32, #tpu.memory_space<hbm>> -> memref<128xi32, #tpu.memory_space<hbm>>
      %dma_wait3A_18 = tpu.memref_slice %arg4[%mul3A_2] : memref<4096xi32, #tpu.memory_space<hbm>> -> memref<128xi32, #tpu.memory_space<hbm>>
      tpu.wait_dma2 semaphore(%run_scoped3A : memref<!tpu.dma_semaphore, #tpu.memory_space<semaphore_mem>>) src(%dma_wait3A_18 : memref<128xi32, #tpu.memory_space<hbm>>) dst(%arg7 : memref<128xi32, #tpu.memory_space<vmem>>)
      tpu.yield
    }) : () -> ()
    "tpu.region"() ({
      %run_scoped3A = tpu.sem_alloc : memref<!tpu.dma_semaphore, #tpu.memory_space<semaphore_mem>>
      %dma_start3A_15 = tpu.memref_slice %arg5[%mul3A_2] : memref<4096xi32, #tpu.memory_space<hbm>> -> memref<128xi32, #tpu.memory_space<hbm>>
      %dma_start3A_16 = tpu.memref_slice %arg5[%mul3A_2] : memref<4096xi32, #tpu.memory_space<hbm>> -> memref<128xi32, #tpu.memory_space<hbm>>
      tpu.enqueue_dma source(%dma_start3A_16 : memref<128xi32, #tpu.memory_space<hbm>>) target(%arg8 : memref<128xi32, #tpu.memory_space<vmem>>) target_semaphore(%run_scoped3A : memref<!tpu.dma_semaphore, #tpu.memory_space<semaphore_mem>>)
      %dma_wait3A_17 = tpu.memref_slice %arg5[%mul3A_2] : memref<4096xi32, #tpu.memory_space<hbm>> -> memref<128xi32, #tpu.memory_space<hbm>>
      %dma_wait3A_18 = tpu.memref_slice %arg5[%mul3A_2] : memref<4096xi32, #tpu.memory_space<hbm>> -> memref<128xi32, #tpu.memory_space<hbm>>
      tpu.wait_dma2 semaphore(%run_scoped3A : memref<!tpu.dma_semaphore, #tpu.memory_space<semaphore_mem>>) src(%dma_wait3A_18 : memref<128xi32, #tpu.memory_space<hbm>>) dst(%arg8 : memref<128xi32, #tpu.memory_space<vmem>>)
      tpu.yield
    }) : () -> ()
    %dma_start3A = arith.constant 0 : i32
    %dma_start3A_3 = arith.constant 0 : i32
    %dma_start3A_4 = tpu.memref_slice %arg2[%dma_start3A, %dma_start3A_3] : memref<512x384xf32, #tpu.memory_space<hbm>> -> memref<512x384xf32, #tpu.memory_space<hbm>>
    tpu.enqueue_indirect_dma source(%dma_start3A_4 : memref<512x384xf32, #tpu.memory_space<hbm>>) target(%arg9 : memref<128x384xf32, #tpu.memory_space<vmem>>) offsets(%arg7 : memref<128xi32, #tpu.memory_space<vmem>>) semaphore(%arg12 : memref<!tpu.dma_semaphore, #tpu.memory_space<semaphore_mem>>)
    %dma_start3A_5 = arith.constant 0 : i32
    %dma_start3A_6 = arith.constant 0 : i32
    %dma_start3A_7 = tpu.memref_slice %arg3[%dma_start3A_5, %dma_start3A_6] : memref<512x256xf32, #tpu.memory_space<hbm>> -> memref<512x256xf32, #tpu.memory_space<hbm>>
    tpu.enqueue_indirect_dma source(%dma_start3A_7 : memref<512x256xf32, #tpu.memory_space<hbm>>) target(%arg10 : memref<128x256xf32, #tpu.memory_space<vmem>>) offsets(%arg8 : memref<128xi32, #tpu.memory_space<vmem>>) semaphore(%arg13 : memref<!tpu.dma_semaphore, #tpu.memory_space<semaphore_mem>>)
    %dma_wait3A = arith.constant 0 : i32
    %dma_wait3A_8 = arith.constant 0 : i32
    %dma_wait3A_9 = tpu.memref_slice %arg2[%dma_wait3A, %dma_wait3A_8] : memref<512x384xf32, #tpu.memory_space<hbm>> -> memref<512x384xf32, #tpu.memory_space<hbm>>
    tpu.wait_indirect_dma semaphore(%arg12 : memref<!tpu.dma_semaphore, #tpu.memory_space<semaphore_mem>>) src(%dma_wait3A_9 : memref<512x384xf32, #tpu.memory_space<hbm>>) dst(%arg9 : memref<128x384xf32, #tpu.memory_space<vmem>>)
    %dma_wait3A_10 = arith.constant 0 : i32
    %dma_wait3A_11 = arith.constant 0 : i32
    %dma_wait3A_12 = tpu.memref_slice %arg3[%dma_wait3A_10, %dma_wait3A_11] : memref<512x256xf32, #tpu.memory_space<hbm>> -> memref<512x256xf32, #tpu.memory_space<hbm>>
    tpu.wait_indirect_dma semaphore(%arg13 : memref<!tpu.dma_semaphore, #tpu.memory_space<semaphore_mem>>) src(%dma_wait3A_12 : memref<512x256xf32, #tpu.memory_space<hbm>>) dst(%arg10 : memref<128x256xf32, #tpu.memory_space<vmem>>)
    %parallel_loop3A = arith.constant 0 : i32
    %parallel_loop3A_13 = arith.constant 128 : i32
    %parallel_loop3A_14 = arith.constant 1 : i32
    scf.for %parallel_loop3A_15 = %parallel_loop3A to %parallel_loop3A_13 step %parallel_loop3A_14  : i32 {
      %parallel_loop3A_16 = arith.index_cast %parallel_loop3A_15 : i32 to index
      %parallel_loop3A_17 = arith.constant 128 : index
      %parallel_loop3A_18 = tpu.vector_load %arg10[%parallel_loop3A_16, %parallel_loop3A_17] {strides = array<i32>} : memref<128x256xf32, #tpu.memory_space<vmem>>, vector<1x16xf32>,
      %parallel_loop3A_19 = vector.shape_cast %parallel_loop3A_18 : vector<1x16xf32> to vector<16xf32>
      %parallel_loop3A_20 = arith.index_cast %parallel_loop3A_15 : i32 to index
      %parallel_loop3A_21 = arith.constant 0 : index
      %parallel_loop3A_22 = tpu.vector_load %arg9[%parallel_loop3A_20, %parallel_loop3A_21] {strides = array<i32>} : memref<128x384xf32, #tpu.memory_space<vmem>>, vector<1x16xf32>,
      %parallel_loop3A_23 = vector.shape_cast %parallel_loop3A_22 : vector<1x16xf32> to vector<16xf32>
      %parallel_loop3A_24 = arith.index_cast %parallel_loop3A_15 : i32 to index
      %parallel_loop3A_25 = arith.constant 128 : index
      %parallel_loop3A_26 = tpu.vector_load %arg9[%parallel_loop3A_24, %parallel_loop3A_25] {strides = array<i32>} : memref<128x384xf32, #tpu.memory_space<vmem>>, vector<1x16xf32>,
      %parallel_loop3A_27 = vector.shape_cast %parallel_loop3A_26 : vector<1x16xf32> to vector<16xf32>
      %parallel_loop3A_28 = arith.index_cast %parallel_loop3A_15 : i32 to index
      %parallel_loop3A_29 = arith.constant 256 : index
      %parallel_loop3A_30 = tpu.vector_load %arg9[%parallel_loop3A_28, %parallel_loop3A_29] {strides = array<i32>} : memref<128x384xf32, #tpu.memory_space<vmem>>, vector<1x16xf32>,
      %parallel_loop3A_31 = vector.shape_cast %parallel_loop3A_30 : vector<1x16xf32> to vector<16xf32>
      %parallel_loop3A_32 = arith.index_cast %parallel_loop3A_15 : i32 to index
      %parallel_loop3A_33 = arith.constant 0 : index
      %parallel_loop3A_34 = tpu.vector_load %arg10[%parallel_loop3A_32, %parallel_loop3A_33] {strides = array<i32>} : memref<128x256xf32, #tpu.memory_space<vmem>>, vector<1x16xf32>,
      %parallel_loop3A_35 = vector.shape_cast %parallel_loop3A_34 : vector<1x16xf32> to vector<16xf32>
      %parallel_loop3A_36 = arith.mulf %parallel_loop3A_27, %parallel_loop3A_19 : vector<16xf32>
      %parallel_loop3A_37 = arith.addf %parallel_loop3A_23, %parallel_loop3A_36 : vector<16xf32>
      %parallel_loop3A_38 = arith.mulf %parallel_loop3A_31, %parallel_loop3A_35 : vector<16xf32>
      %parallel_loop3A_39 = arith.addf %parallel_loop3A_37, %parallel_loop3A_38 : vector<16xf32>
      %parallel_loop3A_40 = arith.index_cast %parallel_loop3A_15 : i32 to index
      %parallel_loop3A_41 = arith.constant 0 : index
      %parallel_loop3A_42 = tpu.vector_load %arg11[%parallel_loop3A_40, %parallel_loop3A_41] {strides = array<i32>} : memref<128x128xf32, #tpu.memory_space<vmem>>, vector<1x16xf32>,
      %parallel_loop3A_43 = vector.shape_cast %parallel_loop3A_42 : vector<1x16xf32> to vector<16xf32>
      %parallel_loop3A_44 = vector.shape_cast %parallel_loop3A_39 : vector<16xf32> to vector<1x16xf32>
      tpu.vector_store %arg11[%parallel_loop3A_40, %parallel_loop3A_41], %parallel_loop3A_44 {strides = array<i32>} : memref<128x128xf32, #tpu.memory_space<vmem>>, vector<1x16xf32>,
      %parallel_loop3A_45 = arith.index_cast %parallel_loop3A_15 : i32 to index
      %parallel_loop3A_46 = arith.constant 16 : index
      %parallel_loop3A_47 = tpu.vector_load %arg9[%parallel_loop3A_45, %parallel_loop3A_46] {strides = array<i32>} : memref<128x384xf32, #tpu.memory_space<vmem>>, vector<1x16xf32>,
      %parallel_loop3A_48 = vector.shape_cast %parallel_loop3A_47 : vector<1x16xf32> to vector<16xf32>
      %parallel_loop3A_49 = arith.index_cast %parallel_loop3A_15 : i32 to index
      %parallel_loop3A_50 = arith.constant 144 : index
      %parallel_loop3A_51 = tpu.vector_load %arg9[%parallel_loop3A_49, %parallel_loop3A_50] {strides = array<i32>} : memref<128x384xf32, #tpu.memory_space<vmem>>, vector<1x16xf32>,
      %parallel_loop3A_52 = vector.shape_cast %parallel_loop3A_51 : vector<1x16xf32> to vector<16xf32>
      %parallel_loop3A_53 = arith.index_cast %parallel_loop3A_15 : i32 to index
      %parallel_loop3A_54 = arith.constant 272 : index
      %parallel_loop3A_55 = tpu.vector_load %arg9[%parallel_loop3A_53, %parallel_loop3A_54] {strides = array<i32>} : memref<128x384xf32, #tpu.memory_space<vmem>>, vector<1x16xf32>,
      %parallel_loop3A_56 = vector.shape_cast %parallel_loop3A_55 : vector<1x16xf32> to vector<16xf32>
      %parallel_loop3A_57 = arith.index_cast %parallel_loop3A_15 : i32 to index
      %parallel_loop3A_58 = arith.constant 16 : index
      %parallel_loop3A_59 = tpu.vector_load %arg10[%parallel_loop3A_57, %parallel_loop3A_58] {strides = array<i32>} : memref<128x256xf32, #tpu.memory_space<vmem>>, vector<1x16xf32>,
      %parallel_loop3A_60 = vector.shape_cast %parallel_loop3A_59 : vector<1x16xf32> to vector<16xf32>
      %parallel_loop3A_61 = arith.mulf %parallel_loop3A_52, %parallel_loop3A_19 : vector<16xf32>
      %parallel_loop3A_62 = arith.addf %parallel_loop3A_48, %parallel_loop3A_61 : vector<16xf32>
      %parallel_loop3A_63 = arith.mulf %parallel_loop3A_56, %parallel_loop3A_60 : vector<16xf32>
      %parallel_loop3A_64 = arith.addf %parallel_loop3A_62, %parallel_loop3A_63 : vector<16xf32>
      %parallel_loop3A_65 = arith.index_cast %parallel_loop3A_15 : i32 to index
      %parallel_loop3A_66 = arith.constant 16 : index
      %parallel_loop3A_67 = tpu.vector_load %arg11[%parallel_loop3A_65, %parallel_loop3A_66] {strides = array<i32>} : memref<128x128xf32, #tpu.memory_space<vmem>>, vector<1x16xf32>,
      %parallel_loop3A_68 = vector.shape_cast %parallel_loop3A_67 : vector<1x16xf32> to vector<16xf32>
      %parallel_loop3A_69 = vector.shape_cast %parallel_loop3A_64 : vector<16xf32> to vector<1x16xf32>
      tpu.vector_store %arg11[%parallel_loop3A_65, %parallel_loop3A_66], %parallel_loop3A_69 {strides = array<i32>} : memref<128x128xf32, #tpu.memory_space<vmem>>, vector<1x16xf32>,
      %parallel_loop3A_70 = arith.index_cast %parallel_loop3A_15 : i32 to index
      %parallel_loop3A_71 = arith.constant 32 : index
      %parallel_loop3A_72 = tpu.vector_load %arg9[%parallel_loop3A_70, %parallel_loop3A_71] {strides = array<i32>} : memref<128x384xf32, #tpu.memory_space<vmem>>, vector<1x16xf32>,
      %parallel_loop3A_73 = vector.shape_cast %parallel_loop3A_72 : vector<1x16xf32> to vector<16xf32>
      %parallel_loop3A_74 = arith.index_cast %parallel_loop3A_15 : i32 to index
      %parallel_loop3A_75 = arith.constant 160 : index
      %parallel_loop3A_76 = tpu.vector_load %arg9[%parallel_loop3A_74, %parallel_loop3A_75] {strides = array<i32>} : memref<128x384xf32, #tpu.memory_space<vmem>>, vector<1x16xf32>,
      %parallel_loop3A_77 = vector.shape_cast %parallel_loop3A_76 : vector<1x16xf32> to vector<16xf32>
      %parallel_loop3A_78 = arith.index_cast %parallel_loop3A_15 : i32 to index
      %parallel_loop3A_79 = arith.constant 288 : index
      %parallel_loop3A_80 = tpu.vector_load %arg9[%parallel_loop3A_78, %parallel_loop3A_79] {strides = array<i32>} : memref<128x384xf32, #tpu.memory_space<vmem>>, vector<1x16xf32>,
      %parallel_loop3A_81 = vector.shape_cast %parallel_loop3A_80 : vector<1x16xf32> to vector<16xf32>
      %parallel_loop3A_82 = arith.index_cast %parallel_loop3A_15 : i32 to index
      %parallel_loop3A_83 = arith.constant 32 : index
      %parallel_loop3A_84 = tpu.vector_load %arg10[%parallel_loop3A_82, %parallel_loop3A_83] {strides = array<i32>} : memref<128x256xf32, #tpu.memory_space<vmem>>, vector<1x16xf32>,
      %parallel_loop3A_85 = vector.shape_cast %parallel_loop3A_84 : vector<1x16xf32> to vector<16xf32>
      %parallel_loop3A_86 = arith.mulf %parallel_loop3A_77, %parallel_loop3A_19 : vector<16xf32>
      %parallel_loop3A_87 = arith.addf %parallel_loop3A_73, %parallel_loop3A_86 : vector<16xf32>
      %parallel_loop3A_88 = arith.mulf %parallel_loop3A_81, %parallel_loop3A_85 : vector<16xf32>
      %parallel_loop3A_89 = arith.addf %parallel_loop3A_87, %parallel_loop3A_88 : vector<16xf32>
      %parallel_loop3A_90 = arith.index_cast %parallel_loop3A_15 : i32 to index
      %parallel_loop3A_91 = arith.constant 32 : index
      %parallel_loop3A_92 = tpu.vector_load %arg11[%parallel_loop3A_90, %parallel_loop3A_91] {strides = array<i32>} : memref<128x128xf32, #tpu.memory_space<vmem>>, vector<1x16xf32>,
      %parallel_loop3A_93 = vector.shape_cast %parallel_loop3A_92 : vector<1x16xf32> to vector<16xf32>
      %parallel_loop3A_94 = vector.shape_cast %parallel_loop3A_89 : vector<16xf32> to vector<1x16xf32>
      tpu.vector_store %arg11[%parallel_loop3A_90, %parallel_loop3A_91], %parallel_loop3A_94 {strides = array<i32>} : memref<128x128xf32, #tpu.memory_space<vmem>>, vector<1x16xf32>,
      %parallel_loop3A_95 = arith.index_cast %parallel_loop3A_15 : i32 to index
      %parallel_loop3A_96 = arith.constant 48 : index
      %parallel_loop3A_97 = tpu.vector_load %arg9[%parallel_loop3A_95, %parallel_loop3A_96] {strides = array<i32>} : memref<128x384xf32, #tpu.memory_space<vmem>>, vector<1x16xf32>,
      %parallel_loop3A_98 = vector.shape_cast %parallel_loop3A_97 : vector<1x16xf32> to vector<16xf32>
      %parallel_loop3A_99 = arith.index_cast %parallel_loop3A_15 : i32 to index
      %parallel_loop3A_100 = arith.constant 176 : index
      %parallel_loop3A_101 = tpu.vector_load %arg9[%parallel_loop3A_99, %parallel_loop3A_100] {strides = array<i32>} : memref<128x384xf32, #tpu.memory_space<vmem>>, vector<1x16xf32>,
      %parallel_loop3A_102 = vector.shape_cast %parallel_loop3A_101 : vector<1x16xf32> to vector<16xf32>
      %parallel_loop3A_103 = arith.index_cast %parallel_loop3A_15 : i32 to index
      %parallel_loop3A_104 = arith.constant 304 : index
      %parallel_loop3A_105 = tpu.vector_load %arg9[%parallel_loop3A_103, %parallel_loop3A_104] {strides = array<i32>} : memref<128x384xf32, #tpu.memory_space<vmem>>, vector<1x16xf32>,
      %parallel_loop3A_106 = vector.shape_cast %parallel_loop3A_105 : vector<1x16xf32> to vector<16xf32>
      %parallel_loop3A_107 = arith.index_cast %parallel_loop3A_15 : i32 to index
      %parallel_loop3A_108 = arith.constant 48 : index
      %parallel_loop3A_109 = tpu.vector_load %arg10[%parallel_loop3A_107, %parallel_loop3A_108] {strides = array<i32>} : memref<128x256xf32, #tpu.memory_space<vmem>>, vector<1x16xf32>,
      %parallel_loop3A_110 = vector.shape_cast %parallel_loop3A_109 : vector<1x16xf32> to vector<16xf32>
      %parallel_loop3A_111 = arith.mulf %parallel_loop3A_102, %parallel_loop3A_19 : vector<16xf32>
      %parallel_loop3A_112 = arith.addf %parallel_loop3A_98, %parallel_loop3A_111 : vector<16xf32>
      %parallel_loop3A_113 = arith.mulf %parallel_loop3A_106, %parallel_loop3A_110 : vector<16xf32>
      %parallel_loop3A_114 = arith.addf %parallel_loop3A_112, %parallel_loop3A_113 : vector<16xf32>
      %parallel_loop3A_115 = arith.index_cast %parallel_loop3A_15 : i32 to index
      %parallel_loop3A_116 = arith.constant 48 : index
      %parallel_loop3A_117 = tpu.vector_load %arg11[%parallel_loop3A_115, %parallel_loop3A_116] {strides = array<i32>} : memref<128x128xf32, #tpu.memory_space<vmem>>, vector<1x16xf32>,
      %parallel_loop3A_118 = vector.shape_cast %parallel_loop3A_117 : vector<1x16xf32> to vector<16xf32>
      %parallel_loop3A_119 = vector.shape_cast %parallel_loop3A_114 : vector<16xf32> to vector<1x16xf32>
      tpu.vector_store %arg11[%parallel_loop3A_115, %parallel_loop3A_116], %parallel_loop3A_119 {strides = array<i32>} : memref<128x128xf32, #tpu.memory_space<vmem>>, vector<1x16xf32>,
      %parallel_loop3A_120 = arith.index_cast %parallel_loop3A_15 : i32 to index
      %parallel_loop3A_121 = arith.constant 64 : index
      %parallel_loop3A_122 = tpu.vector_load %arg9[%parallel_loop3A_120, %parallel_loop3A_121] {strides = array<i32>} : memref<128x384xf32, #tpu.memory_space<vmem>>, vector<1x16xf32>,
      %parallel_loop3A_123 = vector.shape_cast %parallel_loop3A_122 : vector<1x16xf32> to vector<16xf32>
      %parallel_loop3A_124 = arith.index_cast %parallel_loop3A_15 : i32 to index
      %parallel_loop3A_125 = arith.constant 192 : index
      %parallel_loop3A_126 = tpu.vector_load %arg9[%parallel_loop3A_124, %parallel_loop3A_125] {strides = array<i32>} : memref<128x384xf32, #tpu.memory_space<vmem>>, vector<1x16xf32>,
      %parallel_loop3A_127 = vector.shape_cast %parallel_loop3A_126 : vector<1x16xf32> to vector<16xf32>
      %parallel_loop3A_128 = arith.index_cast %parallel_loop3A_15 : i32 to index
      %parallel_loop3A_129 = arith.constant 320 : index
      %parallel_loop3A_130 = tpu.vector_load %arg9[%parallel_loop3A_128, %parallel_loop3A_129] {strides = array<i32>} : memref<128x384xf32, #tpu.memory_space<vmem>>, vector<1x16xf32>,
      %parallel_loop3A_131 = vector.shape_cast %parallel_loop3A_130 : vector<1x16xf32> to vector<16xf32>
      %parallel_loop3A_132 = arith.index_cast %parallel_loop3A_15 : i32 to index
      %parallel_loop3A_133 = arith.constant 64 : index
      %parallel_loop3A_134 = tpu.vector_load %arg10[%parallel_loop3A_132, %parallel_loop3A_133] {strides = array<i32>} : memref<128x256xf32, #tpu.memory_space<vmem>>, vector<1x16xf32>,
      %parallel_loop3A_135 = vector.shape_cast %parallel_loop3A_134 : vector<1x16xf32> to vector<16xf32>
      %parallel_loop3A_136 = arith.mulf %parallel_loop3A_127, %parallel_loop3A_19 : vector<16xf32>
      %parallel_loop3A_137 = arith.addf %parallel_loop3A_123, %parallel_loop3A_136 : vector<16xf32>
      %parallel_loop3A_138 = arith.mulf %parallel_loop3A_131, %parallel_loop3A_135 : vector<16xf32>
      %parallel_loop3A_139 = arith.addf %parallel_loop3A_137, %parallel_loop3A_138 : vector<16xf32>
      %parallel_loop3A_140 = arith.index_cast %parallel_loop3A_15 : i32 to index
      %parallel_loop3A_141 = arith.constant 64 : index
      %parallel_loop3A_142 = tpu.vector_load %arg11[%parallel_loop3A_140, %parallel_loop3A_141] {strides = array<i32>} : memref<128x128xf32, #tpu.memory_space<vmem>>, vector<1x16xf32>,
      %parallel_loop3A_143 = vector.shape_cast %parallel_loop3A_142 : vector<1x16xf32> to vector<16xf32>
      %parallel_loop3A_144 = vector.shape_cast %parallel_loop3A_139 : vector<16xf32> to vector<1x16xf32>
      tpu.vector_store %arg11[%parallel_loop3A_140, %parallel_loop3A_141], %parallel_loop3A_144 {strides = array<i32>} : memref<128x128xf32, #tpu.memory_space<vmem>>, vector<1x16xf32>,
      %parallel_loop3A_145 = arith.index_cast %parallel_loop3A_15 : i32 to index
      %parallel_loop3A_146 = arith.constant 80 : index
      %parallel_loop3A_147 = tpu.vector_load %arg9[%parallel_loop3A_145, %parallel_loop3A_146] {strides = array<i32>} : memref<128x384xf32, #tpu.memory_space<vmem>>, vector<1x16xf32>,
      %parallel_loop3A_148 = vector.shape_cast %parallel_loop3A_147 : vector<1x16xf32> to vector<16xf32>
      %parallel_loop3A_149 = arith.index_cast %parallel_loop3A_15 : i32 to index
      %parallel_loop3A_150 = arith.constant 208 : index
      %parallel_loop3A_151 = tpu.vector_load %arg9[%parallel_loop3A_149, %parallel_loop3A_150] {strides = array<i32>} : memref<128x384xf32, #tpu.memory_space<vmem>>, vector<1x16xf32>,
      %parallel_loop3A_152 = vector.shape_cast %parallel_loop3A_151 : vector<1x16xf32> to vector<16xf32>
      %parallel_loop3A_153 = arith.index_cast %parallel_loop3A_15 : i32 to index
      %parallel_loop3A_154 = arith.constant 336 : index
      %parallel_loop3A_155 = tpu.vector_load %arg9[%parallel_loop3A_153, %parallel_loop3A_154] {strides = array<i32>} : memref<128x384xf32, #tpu.memory_space<vmem>>, vector<1x16xf32>,
      %parallel_loop3A_156 = vector.shape_cast %parallel_loop3A_155 : vector<1x16xf32> to vector<16xf32>
      %parallel_loop3A_157 = arith.index_cast %parallel_loop3A_15 : i32 to index
      %parallel_loop3A_158 = arith.constant 80 : index
      %parallel_loop3A_159 = tpu.vector_load %arg10[%parallel_loop3A_157, %parallel_loop3A_158] {strides = array<i32>} : memref<128x256xf32, #tpu.memory_space<vmem>>, vector<1x16xf32>,
      %parallel_loop3A_160 = vector.shape_cast %parallel_loop3A_159 : vector<1x16xf32> to vector<16xf32>
      %parallel_loop3A_161 = arith.mulf %parallel_loop3A_152, %parallel_loop3A_19 : vector<16xf32>
      %parallel_loop3A_162 = arith.addf %parallel_loop3A_148, %parallel_loop3A_161 : vector<16xf32>
      %parallel_loop3A_163 = arith.mulf %parallel_loop3A_156, %parallel_loop3A_160 : vector<16xf32>
      %parallel_loop3A_164 = arith.addf %parallel_loop3A_162, %parallel_loop3A_163 : vector<16xf32>
      %parallel_loop3A_165 = arith.index_cast %parallel_loop3A_15 : i32 to index
      %parallel_loop3A_166 = arith.constant 80 : index
      %parallel_loop3A_167 = tpu.vector_load %arg11[%parallel_loop3A_165, %parallel_loop3A_166] {strides = array<i32>} : memref<128x128xf32, #tpu.memory_space<vmem>>, vector<1x16xf32>,
      %parallel_loop3A_168 = vector.shape_cast %parallel_loop3A_167 : vector<1x16xf32> to vector<16xf32>
      %parallel_loop3A_169 = vector.shape_cast %parallel_loop3A_164 : vector<16xf32> to vector<1x16xf32>
      tpu.vector_store %arg11[%parallel_loop3A_165, %parallel_loop3A_166], %parallel_loop3A_169 {strides = array<i32>} : memref<128x128xf32, #tpu.memory_space<vmem>>, vector<1x16xf32>,
      %parallel_loop3A_170 = arith.index_cast %parallel_loop3A_15 : i32 to index
      %parallel_loop3A_171 = arith.constant 96 : index
      %parallel_loop3A_172 = tpu.vector_load %arg9[%parallel_loop3A_170, %parallel_loop3A_171] {strides = array<i32>} : memref<128x384xf32, #tpu.memory_space<vmem>>, vector<1x16xf32>,
      %parallel_loop3A_173 = vector.shape_cast %parallel_loop3A_172 : vector<1x16xf32> to vector<16xf32>
      %parallel_loop3A_174 = arith.index_cast %parallel_loop3A_15 : i32 to index
      %parallel_loop3A_175 = arith.constant 224 : index
      %parallel_loop3A_176 = tpu.vector_load %arg9[%parallel_loop3A_174, %parallel_loop3A_175] {strides = array<i32>} : memref<128x384xf32, #tpu.memory_space<vmem>>, vector<1x16xf32>,
      %parallel_loop3A_177 = vector.shape_cast %parallel_loop3A_176 : vector<1x16xf32> to vector<16xf32>
      %parallel_loop3A_178 = arith.index_cast %parallel_loop3A_15 : i32 to index
      %parallel_loop3A_179 = arith.constant 352 : index
      %parallel_loop3A_180 = tpu.vector_load %arg9[%parallel_loop3A_178, %parallel_loop3A_179] {strides = array<i32>} : memref<128x384xf32, #tpu.memory_space<vmem>>, vector<1x16xf32>,
      %parallel_loop3A_181 = vector.shape_cast %parallel_loop3A_180 : vector<1x16xf32> to vector<16xf32>
      %parallel_loop3A_182 = arith.index_cast %parallel_loop3A_15 : i32 to index
      %parallel_loop3A_183 = arith.constant 96 : index
      %parallel_loop3A_184 = tpu.vector_load %arg10[%parallel_loop3A_182, %parallel_loop3A_183] {strides = array<i32>} : memref<128x256xf32, #tpu.memory_space<vmem>>, vector<1x16xf32>,
      %parallel_loop3A_185 = vector.shape_cast %parallel_loop3A_184 : vector<1x16xf32> to vector<16xf32>
      %parallel_loop3A_186 = arith.mulf %parallel_loop3A_177, %parallel_loop3A_19 : vector<16xf32>
      %parallel_loop3A_187 = arith.addf %parallel_loop3A_173, %parallel_loop3A_186 : vector<16xf32>
      %parallel_loop3A_188 = arith.mulf %parallel_loop3A_181, %parallel_loop3A_185 : vector<16xf32>
      %parallel_loop3A_189 = arith.addf %parallel_loop3A_187, %parallel_loop3A_188 : vector<16xf32>
      %parallel_loop3A_190 = arith.index_cast %parallel_loop3A_15 : i32 to index
      %parallel_loop3A_191 = arith.constant 96 : index
      %parallel_loop3A_192 = tpu.vector_load %arg11[%parallel_loop3A_190, %parallel_loop3A_191] {strides = array<i32>} : memref<128x128xf32, #tpu.memory_space<vmem>>, vector<1x16xf32>,
      %parallel_loop3A_193 = vector.shape_cast %parallel_loop3A_192 : vector<1x16xf32> to vector<16xf32>
      %parallel_loop3A_194 = vector.shape_cast %parallel_loop3A_189 : vector<16xf32> to vector<1x16xf32>
      tpu.vector_store %arg11[%parallel_loop3A_190, %parallel_loop3A_191], %parallel_loop3A_194 {strides = array<i32>} : memref<128x128xf32, #tpu.memory_space<vmem>>, vector<1x16xf32>,
      %parallel_loop3A_195 = arith.index_cast %parallel_loop3A_15 : i32 to index
      %parallel_loop3A_196 = arith.constant 112 : index
      %parallel_loop3A_197 = tpu.vector_load %arg9[%parallel_loop3A_195, %parallel_loop3A_196] {strides = array<i32>} : memref<128x384xf32, #tpu.memory_space<vmem>>, vector<1x16xf32>,
      %parallel_loop3A_198 = vector.shape_cast %parallel_loop3A_197 : vector<1x16xf32> to vector<16xf32>
      %parallel_loop3A_199 = arith.index_cast %parallel_loop3A_15 : i32 to index
      %parallel_loop3A_200 = arith.constant 240 : index
      %parallel_loop3A_201 = tpu.vector_load %arg9[%parallel_loop3A_199, %parallel_loop3A_200] {strides = array<i32>} : memref<128x384xf32, #tpu.memory_space<vmem>>, vector<1x16xf32>,
      %parallel_loop3A_202 = vector.shape_cast %parallel_loop3A_201 : vector<1x16xf32> to vector<16xf32>
      %parallel_loop3A_203 = arith.index_cast %parallel_loop3A_15 : i32 to index
      %parallel_loop3A_204 = arith.constant 368 : index
      %parallel_loop3A_205 = tpu.vector_load %arg9[%parallel_loop3A_203, %parallel_loop3A_204] {strides = array<i32>} : memref<128x384xf32, #tpu.memory_space<vmem>>, vector<1x16xf32>,
      %parallel_loop3A_206 = vector.shape_cast %parallel_loop3A_205 : vector<1x16xf32> to vector<16xf32>
      %parallel_loop3A_207 = arith.index_cast %parallel_loop3A_15 : i32 to index
      %parallel_loop3A_208 = arith.constant 112 : index
      %parallel_loop3A_209 = tpu.vector_load %arg10[%parallel_loop3A_207, %parallel_loop3A_208] {strides = array<i32>} : memref<128x256xf32, #tpu.memory_space<vmem>>, vector<1x16xf32>,
      %parallel_loop3A_210 = vector.shape_cast %parallel_loop3A_209 : vector<1x16xf32> to vector<16xf32>
      %parallel_loop3A_211 = arith.mulf %parallel_loop3A_202, %parallel_loop3A_19 : vector<16xf32>
      %parallel_loop3A_212 = arith.addf %parallel_loop3A_198, %parallel_loop3A_211 : vector<16xf32>
      %parallel_loop3A_213 = arith.mulf %parallel_loop3A_206, %parallel_loop3A_210 : vector<16xf32>
      %parallel_loop3A_214 = arith.addf %parallel_loop3A_212, %parallel_loop3A_213 : vector<16xf32>
      %parallel_loop3A_215 = arith.index_cast %parallel_loop3A_15 : i32 to index
      %parallel_loop3A_216 = arith.constant 112 : index
      %parallel_loop3A_217 = tpu.vector_load %arg11[%parallel_loop3A_215, %parallel_loop3A_216] {strides = array<i32>} : memref<128x128xf32, #tpu.memory_space<vmem>>, vector<1x16xf32>,
      %parallel_loop3A_218 = vector.shape_cast %parallel_loop3A_217 : vector<1x16xf32> to vector<16xf32>
      %parallel_loop3A_219 = vector.shape_cast %parallel_loop3A_214 : vector<16xf32> to vector<1x16xf32>
      tpu.vector_store %arg11[%parallel_loop3A_215, %parallel_loop3A_216], %parallel_loop3A_219 {strides = array<i32>} : memref<128x128xf32, #tpu.memory_space<vmem>>, vector<1x16xf32>,
    } {sc.loop_unroll_factor = 4 : i64, sc.parallel_access}
    "tpu.region"() ({
      %run_scoped3A = tpu.sem_alloc : memref<!tpu.dma_semaphore, #tpu.memory_space<semaphore_mem>>
      %dma_start3A_15 = arith.constant 0 : i32
      %dma_start3A_16 = tpu.memref_slice %arg6[%mul3A_2, %dma_start3A_15] : memref<4096x128xf32, #tpu.memory_space<hbm>> -> memref<128x128xf32, #tpu.memory_space<hbm>>
      %dma_start3A_17 = arith.constant 0 : i32
      %dma_start3A_18 = tpu.memref_slice %arg6[%mul3A_2, %dma_start3A_17] : memref<4096x128xf32, #tpu.memory_space<hbm>> -> memref<128x128xf32, #tpu.memory_space<hbm>>
      tpu.enqueue_dma source(%arg11 : memref<128x128xf32, #tpu.memory_space<vmem>>) target(%dma_start3A_18 : memref<128x128xf32, #tpu.memory_space<hbm>>) target_semaphore(%run_scoped3A : memref<!tpu.dma_semaphore, #tpu.memory_space<semaphore_mem>>)
      %dma_wait3A_19 = arith.constant 0 : i32
      %dma_wait3A_20 = tpu.memref_slice %arg6[%mul3A_2, %dma_wait3A_19] : memref<4096x128xf32, #tpu.memory_space<hbm>> -> memref<128x128xf32, #tpu.memory_space<hbm>>
      %dma_wait3A_21 = arith.constant 0 : i32
      %dma_wait3A_22 = tpu.memref_slice %arg6[%mul3A_2, %dma_wait3A_21] : memref<4096x128xf32, #tpu.memory_space<hbm>> -> memref<128x128xf32, #tpu.memory_space<hbm>>
      tpu.wait_dma2 semaphore(%run_scoped3A : memref<!tpu.dma_semaphore, #tpu.memory_space<semaphore_mem>>) src(%arg11 : memref<128x128xf32, #tpu.memory_space<vmem>>) dst(%dma_wait3A_22 : memref<128x128xf32, #tpu.memory_space<hbm>>)
      tpu.yield
    }) : () -> ()
    return
  }
}

module attributes {stable_mosaic.version = 14 : i64} {
  func.func @_tables_body(%arg0: memref<512x10xi32, #tpu.memory_space<vmem>>, %arg1: memref<512x128xf32, #tpu.memory_space<vmem>>, %arg2: memref<501x256xf32, #tpu.memory_space<vmem>>, %arg3: memref<501x128xf32, #tpu.memory_space<vmem>>, %arg4: memref<501x1xf32, #tpu.memory_space<vmem>>, %arg5: memref<512x1xf32, #tpu.memory_space<vmem>>, %arg6: memref<500x1xf32, #tpu.memory_space<vmem>>, %arg7: memref<1x1xf32, #tpu.memory_space<vmem>>, %arg8: memref<512x600xf32, #tpu.memory_space<vmem>>, %arg9: memref<512x600xf32, #tpu.memory_space<vmem>>, %arg10: memref<128x600xf32, #tpu.memory_space<vmem>>, %arg11: memref<1x128xf32, #tpu.memory_space<vmem>>, %arg12: memref<128x128xf32, #tpu.memory_space<vmem>>, %arg13: memref<1x128xf32, #tpu.memory_space<vmem>>, %arg14: memref<128x128xf32, #tpu.memory_space<vmem>>, %arg15: memref<1x128xf32, #tpu.memory_space<vmem>>, %arg16: memref<1x128xf32, #tpu.memory_space<vmem>>, %arg17: memref<1x128xf32, #tpu.memory_space<vmem>>, %arg18: memref<512x384xf32, #tpu.memory_space<vmem>>, %arg19: memref<512x256xf32, #tpu.memory_space<vmem>>, %arg20: memref<512x2xf32, #tpu.memory_space<vmem>>) attributes {dimension_semantics = [], scalar_prefetch = 0 : i64, scratch_operands = 1 : i64, tpu.core_type = #tpu.core_type<tc>} {
    %get3A = arith.constant 0 : index
    %get3A_0 = arith.constant 0 : index
    %get3A_1 = vector.load %arg1[%get3A, %get3A_0] : memref<512x128xf32, #tpu.memory_space<vmem>>, vector<512x128xf32>
    %get3A_2 = arith.constant 0 : index
    %get3A_3 = arith.constant 0 : index
    %get3A_4 = vector.load %arg2[%get3A_2, %get3A_3] : memref<501x256xf32, #tpu.memory_space<vmem>>, vector<501x128xf32>
    %broadcast_in_dim3A = arith.constant 0.000000e+00 : f32
    %broadcast_in_dim3A_5 = vector.broadcast %broadcast_in_dim3A : f32 to vector<11x2xf32>
    %swap3A = arith.constant 501 : index
    %swap3A_6 = arith.constant 0 : index
    %swap3A_7 = vector.load %arg20[%swap3A, %swap3A_6] : memref<512x2xf32, #tpu.memory_space<vmem>>, vector<11x2xf32>
    tpu.vector_store %arg20[%swap3A, %swap3A_6], %broadcast_in_dim3A_5 {strides = array<i32>} : memref<512x2xf32, #tpu.memory_space<vmem>>, vector<11x2xf32>,
    %get3A_8 = arith.constant 0 : index
    %get3A_9 = arith.constant 0 : index
    %get3A_10 = vector.load %arg3[%get3A_8, %get3A_9] : memref<501x128xf32, #tpu.memory_space<vmem>>, vector<501x128xf32>
    %mul3A = arith.mulf %get3A_10, %get3A_4 : vector<501x128xf32>
    %reduce_sum3A = arith.constant dense<0.000000e+00> : vector<501xf32>
    %reduce_sum3A_11 = vector.multi_reduction <add>, %mul3A, %reduce_sum3A [1] : vector<501x128xf32> to vector<501xf32>
    %broadcast_in_dim3A_12 = vector.shape_cast %reduce_sum3A_11 : vector<501xf32> to vector<501x1xf32>
    %mul3A_13 = arith.constant 0.0883883461 : f32
    %mul3A_14 = vector.broadcast %mul3A_13 : f32 to vector<501x1xf32>
    %mul3A_15 = arith.mulf %broadcast_in_dim3A_12, %mul3A_14 : vector<501x1xf32>
    %swap3A_16 = arith.constant 0 : index
    %swap3A_17 = arith.constant 0 : index
    %swap3A_18 = vector.load %arg20[%swap3A_16, %swap3A_17] : memref<512x2xf32, #tpu.memory_space<vmem>>, vector<501x1xf32>
    tpu.vector_store %arg20[%swap3A_16, %swap3A_17], %mul3A_15 {strides = array<i32>} : memref<512x2xf32, #tpu.memory_space<vmem>>, vector<501x1xf32>,
    %get3A_19 = arith.constant 0 : index
    %get3A_20 = arith.constant 0 : index
    %get3A_21 = vector.load %arg4[%get3A_19, %get3A_20] : memref<501x1xf32, #tpu.memory_space<vmem>>, vector<501x1xf32>
    %max3A = arith.constant 0.000000e+00 : f32
    %max3A_22 = vector.broadcast %max3A : f32 to vector<501x1xf32>
    %max3A_23 = arith.maximumf %get3A_21, %max3A_22 : vector<501x1xf32>
    %abs3A = math.absf %get3A_21 : vector<501x1xf32>
    %neg3A = arith.constant 0.000000e+00 : f32
    %neg3A_24 = vector.broadcast %neg3A : f32 to vector<501x1xf32>
    %neg3A_25 = arith.subf %neg3A_24, %abs3A : vector<501x1xf32>
    %exp3A = math.exp %neg3A_25 : vector<501x1xf32>
    %add3A = arith.constant 1.000000e+00 : f32
    %add3A_26 = vector.broadcast %add3A : f32 to vector<501x1xf32>
    %add3A_27 = arith.addf %add3A_26, %exp3A : vector<501x1xf32>
    %log3A = math.log %add3A_27 : vector<501x1xf32>
    %add3A_28 = arith.addf %max3A_23, %log3A : vector<501x1xf32>
    %swap3A_29 = arith.constant 0 : index
    %swap3A_30 = arith.constant 1 : index
    %swap3A_31 = vector.load %arg20[%swap3A_29, %swap3A_30] : memref<512x2xf32, #tpu.memory_space<vmem>>, vector<501x1xf32>
    tpu.vector_store %arg20[%swap3A_29, %swap3A_30], %add3A_28 {strides = array<i32>} : memref<512x2xf32, #tpu.memory_space<vmem>>, vector<501x1xf32>,
    %get3A_32 = arith.constant 0 : index
    %get3A_33 = arith.constant 0 : index
    %get3A_34 = vector.load %arg20[%get3A_32, %get3A_33] : memref<512x2xf32, #tpu.memory_space<vmem>>, vector<512x2xf32>
    %iota3A = tpu.iota {dimensions = array<i32: 1>} : vector<512x512xi32>
    %get3A_35 = arith.constant 0 : index
    %get3A_36 = arith.constant 1 : index
    %get3A_37 = vector.load %arg0[%get3A_35, %get3A_36] : memref<512x10xi32, #tpu.memory_space<vmem>>, vector<512x1xi32>
    %eq3A = vector.broadcast %get3A_37 : vector<512x1xi32> to vector<512x512xi32>
    %eq3A_38 = arith.cmpi eq, %eq3A, %iota3A : vector<512x512xi32>
    %convert_element_type3A = arith.extui %eq3A_38 : vector<512x512xi1> to vector<512x512xi32>
    %convert_element_type3A_39 = arith.sitofp %convert_element_type3A : vector<512x512xi32> to vector<512x512xf32>
    %dot_general3A = arith.constant dense<0.000000e+00> : vector<512x2xf32>
    %dot_general3A_40 = tpu.matmul %convert_element_type3A_39, %get3A_34, %dot_general3A {dimension_numbers = #tpu.dot_dimension_numbers<[1], [0], [0], [1], [0, 0, 1, 1], [], []>, transpose_lhs_hint = false} : vector<512x512xf32>, vector<512x2xf32>, vector<512x2xf32> -> vector<512x2xf32>
    %slice3A = vector.extract_strided_slice %dot_general3A_40 {offsets = [0, 0], sizes = [512, 1], strides = [1, 1]} : vector<512x2xf32> to vector<512x1xf32>
    %slice3A_41 = vector.extract_strided_slice %dot_general3A_40 {offsets = [0, 1], sizes = [512, 1], strides = [1, 1]} : vector<512x2xf32> to vector<512x1xf32>
    %get3A_42 = arith.constant 0 : index
    %get3A_43 = arith.constant 3 : index
    %get3A_44 = vector.load %arg0[%get3A_42, %get3A_43] : memref<512x10xi32, #tpu.memory_space<vmem>>, vector<512x1xi32>
    %eq3A_45 = vector.broadcast %get3A_44 : vector<512x1xi32> to vector<512x512xi32>
    %eq3A_46 = arith.cmpi eq, %eq3A_45, %iota3A : vector<512x512xi32>
    %convert_element_type3A_47 = arith.extui %eq3A_46 : vector<512x512xi1> to vector<512x512xi32>
    %convert_element_type3A_48 = arith.sitofp %convert_element_type3A_47 : vector<512x512xi32> to vector<512x512xf32>
    %dot_general3A_49 = arith.constant dense<0.000000e+00> : vector<512x2xf32>
    %dot_general3A_50 = tpu.matmul %convert_element_type3A_48, %get3A_34, %dot_general3A_49 {dimension_numbers = #tpu.dot_dimension_numbers<[1], [0], [0], [1], [0, 0, 1, 1], [], []>, transpose_lhs_hint = false} : vector<512x512xf32>, vector<512x2xf32>, vector<512x2xf32> -> vector<512x2xf32>
    %slice3A_51 = vector.extract_strided_slice %dot_general3A_50 {offsets = [0, 0], sizes = [512, 1], strides = [1, 1]} : vector<512x2xf32> to vector<512x1xf32>
    %slice3A_52 = vector.extract_strided_slice %dot_general3A_50 {offsets = [0, 1], sizes = [512, 1], strides = [1, 1]} : vector<512x2xf32> to vector<512x1xf32>
    %get3A_53 = arith.constant 0 : index
    %get3A_54 = arith.constant 5 : index
    %get3A_55 = vector.load %arg0[%get3A_53, %get3A_54] : memref<512x10xi32, #tpu.memory_space<vmem>>, vector<512x1xi32>
    %eq3A_56 = vector.broadcast %get3A_55 : vector<512x1xi32> to vector<512x512xi32>
    %eq3A_57 = arith.cmpi eq, %eq3A_56, %iota3A : vector<512x512xi32>
    %convert_element_type3A_58 = arith.extui %eq3A_57 : vector<512x512xi1> to vector<512x512xi32>
    %convert_element_type3A_59 = arith.sitofp %convert_element_type3A_58 : vector<512x512xi32> to vector<512x512xf32>
    %dot_general3A_60 = arith.constant dense<0.000000e+00> : vector<512x2xf32>
    %dot_general3A_61 = tpu.matmul %convert_element_type3A_59, %get3A_34, %dot_general3A_60 {dimension_numbers = #tpu.dot_dimension_numbers<[1], [0], [0], [1], [0, 0, 1, 1], [], []>, transpose_lhs_hint = false} : vector<512x512xf32>, vector<512x2xf32>, vector<512x2xf32> -> vector<512x2xf32>
    %slice3A_62 = vector.extract_strided_slice %dot_general3A_61 {offsets = [0, 0], sizes = [512, 1], strides = [1, 1]} : vector<512x2xf32> to vector<512x1xf32>
    %slice3A_63 = vector.extract_strided_slice %dot_general3A_61 {offsets = [0, 1], sizes = [512, 1], strides = [1, 1]} : vector<512x2xf32> to vector<512x1xf32>
    %get3A_64 = arith.constant 0 : index
    %get3A_65 = arith.constant 7 : index
    %get3A_66 = vector.load %arg0[%get3A_64, %get3A_65] : memref<512x10xi32, #tpu.memory_space<vmem>>, vector<512x1xi32>
    %eq3A_67 = vector.broadcast %get3A_66 : vector<512x1xi32> to vector<512x512xi32>
    %eq3A_68 = arith.cmpi eq, %eq3A_67, %iota3A : vector<512x512xi32>
    %convert_element_type3A_69 = arith.extui %eq3A_68 : vector<512x512xi1> to vector<512x512xi32>
    %convert_element_type3A_70 = arith.sitofp %convert_element_type3A_69 : vector<512x512xi32> to vector<512x512xf32>
    %dot_general3A_71 = arith.constant dense<0.000000e+00> : vector<512x2xf32>
    %dot_general3A_72 = tpu.matmul %convert_element_type3A_70, %get3A_34, %dot_general3A_71 {dimension_numbers = #tpu.dot_dimension_numbers<[1], [0], [0], [1], [0, 0, 1, 1], [], []>, transpose_lhs_hint = false} : vector<512x512xf32>, vector<512x2xf32>, vector<512x2xf32> -> vector<512x2xf32>
    %slice3A_73 = vector.extract_strided_slice %dot_general3A_72 {offsets = [0, 0], sizes = [512, 1], strides = [1, 1]} : vector<512x2xf32> to vector<512x1xf32>
    %slice3A_74 = vector.extract_strided_slice %dot_general3A_72 {offsets = [0, 1], sizes = [512, 1], strides = [1, 1]} : vector<512x2xf32> to vector<512x1xf32>
    %get3A_75 = arith.constant 0 : index
    %get3A_76 = arith.constant 9 : index
    %get3A_77 = vector.load %arg0[%get3A_75, %get3A_76] : memref<512x10xi32, #tpu.memory_space<vmem>>, vector<512x1xi32>
    %eq3A_78 = vector.broadcast %get3A_77 : vector<512x1xi32> to vector<512x512xi32>
    %eq3A_79 = arith.cmpi eq, %eq3A_78, %iota3A : vector<512x512xi32>
    %convert_element_type3A_80 = arith.extui %eq3A_79 : vector<512x512xi1> to vector<512x512xi32>
    %convert_element_type3A_81 = arith.sitofp %convert_element_type3A_80 : vector<512x512xi32> to vector<512x512xf32>
    %dot_general3A_82 = arith.constant dense<0.000000e+00> : vector<512x2xf32>
    %dot_general3A_83 = tpu.matmul %convert_element_type3A_81, %get3A_34, %dot_general3A_82 {dimension_numbers = #tpu.dot_dimension_numbers<[1], [0], [0], [1], [0, 0, 1, 1], [], []>, transpose_lhs_hint = false} : vector<512x512xf32>, vector<512x2xf32>, vector<512x2xf32> -> vector<512x2xf32>
    %slice3A_84 = vector.extract_strided_slice %dot_general3A_83 {offsets = [0, 0], sizes = [512, 1], strides = [1, 1]} : vector<512x2xf32> to vector<512x1xf32>
    %slice3A_85 = vector.extract_strided_slice %dot_general3A_83 {offsets = [0, 1], sizes = [512, 1], strides = [1, 1]} : vector<512x2xf32> to vector<512x1xf32>
    %max3A_86 = arith.maximumf %slice3A, %slice3A_51 : vector<512x1xf32>
    %max3A_87 = arith.maximumf %max3A_86, %slice3A_62 : vector<512x1xf32>
    %max3A_88 = arith.maximumf %max3A_87, %slice3A_73 : vector<512x1xf32>
    %max3A_89 = arith.maximumf %max3A_88, %slice3A_84 : vector<512x1xf32>
    %sub3A = arith.subf %slice3A, %max3A_89 : vector<512x1xf32>
    %exp3A_90 = math.exp %sub3A : vector<512x1xf32>
    %sub3A_91 = arith.subf %slice3A_51, %max3A_89 : vector<512x1xf32>
    %exp3A_92 = math.exp %sub3A_91 : vector<512x1xf32>
    %sub3A_93 = arith.subf %slice3A_62, %max3A_89 : vector<512x1xf32>
    %exp3A_94 = math.exp %sub3A_93 : vector<512x1xf32>
    %sub3A_95 = arith.subf %slice3A_73, %max3A_89 : vector<512x1xf32>
    %exp3A_96 = math.exp %sub3A_95 : vector<512x1xf32>
    %sub3A_97 = arith.subf %slice3A_84, %max3A_89 : vector<512x1xf32>
    %exp3A_98 = math.exp %sub3A_97 : vector<512x1xf32>
    %add3A_99 = arith.addf %exp3A_90, %exp3A_92 : vector<512x1xf32>
    %add3A_100 = arith.addf %add3A_99, %exp3A_94 : vector<512x1xf32>
    %add3A_101 = arith.addf %add3A_100, %exp3A_96 : vector<512x1xf32>
    %add3A_102 = arith.addf %add3A_101, %exp3A_98 : vector<512x1xf32>
    %broadcast_in_dim3A_103 = arith.constant 0.000000e+00 : f32
    %broadcast_in_dim3A_104 = vector.broadcast %broadcast_in_dim3A_103 : f32 to vector<512x512xf32>
    %get3A_105 = arith.constant 0 : index
    %get3A_106 = arith.constant 0 : index
    %get3A_107 = vector.load %arg0[%get3A_105, %get3A_106] : memref<512x10xi32, #tpu.memory_space<vmem>>, vector<512x1xi32>
    %eq3A_108 = vector.broadcast %get3A_107 : vector<512x1xi32> to vector<512x512xi32>
    %eq3A_109 = arith.cmpi eq, %eq3A_108, %iota3A : vector<512x512xi32>
    %div3A = arith.divf %exp3A_90, %add3A_102 : vector<512x1xf32>
    %jit3A = arith.constant 0.000000e+00 : f32
    %broadcast_in_dim3A_110 = vector.shape_cast %div3A : vector<512x1xf32> to vector<512x1xf32>
    %broadcast_in_dim3A_111 = vector.broadcast %broadcast_in_dim3A_110 : vector<512x1xf32> to vector<512x512xf32>
    %broadcast_in_dim3A_112 = vector.broadcast %jit3A : f32 to vector<512x512xf32>
    %select_n3A = arith.select %eq3A_109, %broadcast_in_dim3A_111, %broadcast_in_dim3A_112 : vector<512x512xi1>, vector<512x512xf32>
    %add3A_113 = arith.addf %broadcast_in_dim3A_104, %select_n3A : vector<512x512xf32>
    %get3A_114 = arith.constant 0 : index
    %get3A_115 = arith.constant 2 : index
    %get3A_116 = vector.load %arg0[%get3A_114, %get3A_115] : memref<512x10xi32, #tpu.memory_space<vmem>>, vector<512x1xi32>
    %eq3A_117 = vector.broadcast %get3A_116 : vector<512x1xi32> to vector<512x512xi32>
    %eq3A_118 = arith.cmpi eq, %eq3A_117, %iota3A : vector<512x512xi32>
    %div3A_119 = arith.divf %exp3A_92, %add3A_102 : vector<512x1xf32>
    %jit3A_120 = arith.constant 0.000000e+00 : f32
    %broadcast_in_dim3A_121 = vector.shape_cast %div3A_119 : vector<512x1xf32> to vector<512x1xf32>
    %broadcast_in_dim3A_122 = vector.broadcast %broadcast_in_dim3A_121 : vector<512x1xf32> to vector<512x512xf32>
    %broadcast_in_dim3A_123 = vector.broadcast %jit3A_120 : f32 to vector<512x512xf32>
    %select_n3A_124 = arith.select %eq3A_118, %broadcast_in_dim3A_122, %broadcast_in_dim3A_123 : vector<512x512xi1>, vector<512x512xf32>
    %add3A_125 = arith.addf %add3A_113, %select_n3A_124 : vector<512x512xf32>
    %get3A_126 = arith.constant 0 : index
    %get3A_127 = arith.constant 4 : index
    %get3A_128 = vector.load %arg0[%get3A_126, %get3A_127] : memref<512x10xi32, #tpu.memory_space<vmem>>, vector<512x1xi32>
    %eq3A_129 = vector.broadcast %get3A_128 : vector<512x1xi32> to vector<512x512xi32>
    %eq3A_130 = arith.cmpi eq, %eq3A_129, %iota3A : vector<512x512xi32>
    %div3A_131 = arith.divf %exp3A_94, %add3A_102 : vector<512x1xf32>
    %jit3A_132 = arith.constant 0.000000e+00 : f32
    %broadcast_in_dim3A_133 = vector.shape_cast %div3A_131 : vector<512x1xf32> to vector<512x1xf32>
    %broadcast_in_dim3A_134 = vector.broadcast %broadcast_in_dim3A_133 : vector<512x1xf32> to vector<512x512xf32>
    %broadcast_in_dim3A_135 = vector.broadcast %jit3A_132 : f32 to vector<512x512xf32>
    %select_n3A_136 = arith.select %eq3A_130, %broadcast_in_dim3A_134, %broadcast_in_dim3A_135 : vector<512x512xi1>, vector<512x512xf32>
    %add3A_137 = arith.addf %add3A_125, %select_n3A_136 : vector<512x512xf32>
    %get3A_138 = arith.constant 0 : index
    %get3A_139 = arith.constant 6 : index
    %get3A_140 = vector.load %arg0[%get3A_138, %get3A_139] : memref<512x10xi32, #tpu.memory_space<vmem>>, vector<512x1xi32>
    %eq3A_141 = vector.broadcast %get3A_140 : vector<512x1xi32> to vector<512x512xi32>
    %eq3A_142 = arith.cmpi eq, %eq3A_141, %iota3A : vector<512x512xi32>
    %div3A_143 = arith.divf %exp3A_96, %add3A_102 : vector<512x1xf32>
    %jit3A_144 = arith.constant 0.000000e+00 : f32
    %broadcast_in_dim3A_145 = vector.shape_cast %div3A_143 : vector<512x1xf32> to vector<512x1xf32>
    %broadcast_in_dim3A_146 = vector.broadcast %broadcast_in_dim3A_145 : vector<512x1xf32> to vector<512x512xf32>
    %broadcast_in_dim3A_147 = vector.broadcast %jit3A_144 : f32 to vector<512x512xf32>
    %select_n3A_148 = arith.select %eq3A_142, %broadcast_in_dim3A_146, %broadcast_in_dim3A_147 : vector<512x512xi1>, vector<512x512xf32>
    %add3A_149 = arith.addf %add3A_137, %select_n3A_148 : vector<512x512xf32>
    %get3A_150 = arith.constant 0 : index
    %get3A_151 = arith.constant 8 : index
    %get3A_152 = vector.load %arg0[%get3A_150, %get3A_151] : memref<512x10xi32, #tpu.memory_space<vmem>>, vector<512x1xi32>
    %eq3A_153 = vector.broadcast %get3A_152 : vector<512x1xi32> to vector<512x512xi32>
    %eq3A_154 = arith.cmpi eq, %eq3A_153, %iota3A : vector<512x512xi32>
    %div3A_155 = arith.divf %exp3A_98, %add3A_102 : vector<512x1xf32>
    %jit3A_156 = arith.constant 0.000000e+00 : f32
    %broadcast_in_dim3A_157 = vector.shape_cast %div3A_155 : vector<512x1xf32> to vector<512x1xf32>
    %broadcast_in_dim3A_158 = vector.broadcast %broadcast_in_dim3A_157 : vector<512x1xf32> to vector<512x512xf32>
    %broadcast_in_dim3A_159 = vector.broadcast %jit3A_156 : f32 to vector<512x512xf32>
    %select_n3A_160 = arith.select %eq3A_154, %broadcast_in_dim3A_158, %broadcast_in_dim3A_159 : vector<512x512xi1>, vector<512x512xf32>
    %add3A_161 = arith.addf %add3A_149, %select_n3A_160 : vector<512x512xf32>
    %dot_general3A_162 = arith.constant dense<0.000000e+00> : vector<512x128xf32>
    %dot_general3A_163 = tpu.matmul %add3A_161, %get3A_1, %dot_general3A_162 {dimension_numbers = #tpu.dot_dimension_numbers<[1], [0], [0], [1], [0, 0, 1, 1], [], []>, transpose_lhs_hint = false} : vector<512x512xf32>, vector<512x128xf32>, vector<512x128xf32> -> vector<512x128xf32>
    %add3A_164 = arith.addf %slice3A_41, %slice3A_52 : vector<512x1xf32>
    %add3A_165 = arith.addf %add3A_164, %slice3A_63 : vector<512x1xf32>
    %add3A_166 = arith.addf %add3A_165, %slice3A_74 : vector<512x1xf32>
    %add3A_167 = arith.addf %add3A_166, %slice3A_85 : vector<512x1xf32>
    %mul3A_168 = arith.constant 2.000000e-01 : f32
    %mul3A_169 = vector.broadcast %mul3A_168 : f32 to vector<512x1xf32>
    %mul3A_170 = arith.mulf %add3A_167, %mul3A_169 : vector<512x1xf32>
    %get3A_171 = arith.constant 0 : index
    %get3A_172 = arith.constant 0 : index
    %get3A_173 = vector.load %arg8[%get3A_171, %get3A_172] : memref<512x600xf32, #tpu.memory_space<vmem>>, vector<512x600xf32>
    %get3A_174 = arith.constant 0 : index
    %get3A_175 = arith.constant 0 : index
    %get3A_176 = vector.load %arg9[%get3A_174, %get3A_175] : memref<512x600xf32, #tpu.memory_space<vmem>>, vector<512x600xf32>
    %mul3A_177 = arith.mulf %get3A_173, %get3A_176 : vector<512x600xf32>
    %mul3A_178 = arith.constant 0.0883883461 : f32
    %mul3A_179 = vector.broadcast %mul3A_178 : f32 to vector<512x600xf32>
    %mul3A_180 = arith.mulf %mul3A_177, %mul3A_179 : vector<512x600xf32>
    %get3A_181 = arith.constant 0 : index
    %get3A_182 = arith.constant 0 : index
    %get3A_183 = vector.load %arg10[%get3A_181, %get3A_182] : memref<128x600xf32, #tpu.memory_space<vmem>>, vector<128x600xf32>
    %dot_general3A_184 = arith.constant dense<0.000000e+00> : vector<512x128xf32>
    %dot_general3A_185 = tpu.matmul %mul3A_180, %get3A_183, %dot_general3A_184 {dimension_numbers = #tpu.dot_dimension_numbers<[1], [1], [0], [0], [0, 0, 1, 0], [], []>, transpose_lhs_hint = false} : vector<512x600xf32>, vector<128x600xf32>, vector<512x128xf32> -> vector<512x128xf32>
    %get3A_186 = arith.constant 0 : index
    %get3A_187 = arith.constant 0 : index
    %get3A_188 = vector.load %arg11[%get3A_186, %get3A_187] : memref<1x128xf32, #tpu.memory_space<vmem>>, vector<1x128xf32>
    %add3A_189 = vector.broadcast %get3A_188 : vector<1x128xf32> to vector<512x128xf32>
    %add3A_190 = arith.addf %dot_general3A_185, %add3A_189 : vector<512x128xf32>
    %get3A_191 = arith.constant 0 : index
    %get3A_192 = arith.constant 0 : index
    %get3A_193 = vector.load %arg12[%get3A_191, %get3A_192] : memref<128x128xf32, #tpu.memory_space<vmem>>, vector<128x128xf32>
    %dot_general3A_194 = arith.constant dense<0.000000e+00> : vector<512x128xf32>
    %dot_general3A_195 = tpu.matmul %add3A_190, %get3A_193, %dot_general3A_194 {dimension_numbers = #tpu.dot_dimension_numbers<[1], [1], [0], [0], [0, 0, 1, 0], [], []>, transpose_lhs_hint = false} : vector<512x128xf32>, vector<128x128xf32>, vector<512x128xf32> -> vector<512x128xf32>
    %get3A_196 = arith.constant 0 : index
    %get3A_197 = arith.constant 0 : index
    %get3A_198 = vector.load %arg13[%get3A_196, %get3A_197] : memref<1x128xf32, #tpu.memory_space<vmem>>, vector<1x128xf32>
    %add3A_199 = vector.broadcast %get3A_198 : vector<1x128xf32> to vector<512x128xf32>
    %add3A_200 = arith.addf %dot_general3A_195, %add3A_199 : vector<512x128xf32>
    %reduce_sum3A_201 = arith.constant dense<0.000000e+00> : vector<512xf32>
    %reduce_sum3A_202 = vector.multi_reduction <add>, %add3A_200, %reduce_sum3A_201 [1] : vector<512x128xf32> to vector<512xf32>
    %broadcast_in_dim3A_203 = vector.shape_cast %reduce_sum3A_202 : vector<512xf32> to vector<512x1xf32>
    %div3A_204 = arith.constant 1.280000e+02 : f32
    %div3A_205 = vector.broadcast %div3A_204 : f32 to vector<512x1xf32>
    %div3A_206 = arith.divf %broadcast_in_dim3A_203, %div3A_205 : vector<512x1xf32>
    %sub3A_207 = vector.broadcast %div3A_206 : vector<512x1xf32> to vector<512x128xf32>
    %sub3A_208 = arith.subf %add3A_200, %sub3A_207 : vector<512x128xf32>
    %integer_pow3A = arith.mulf %sub3A_208, %sub3A_208 : vector<512x128xf32>
    %reduce_sum3A_209 = arith.constant dense<0.000000e+00> : vector<512xf32>
    %reduce_sum3A_210 = vector.multi_reduction <add>, %integer_pow3A, %reduce_sum3A_209 [1] : vector<512x128xf32> to vector<512xf32>
    %broadcast_in_dim3A_211 = vector.shape_cast %reduce_sum3A_210 : vector<512xf32> to vector<512x1xf32>
    %div3A_212 = arith.constant 1.280000e+02 : f32
    %div3A_213 = vector.broadcast %div3A_212 : f32 to vector<512x1xf32>
    %div3A_214 = arith.divf %broadcast_in_dim3A_211, %div3A_213 : vector<512x1xf32>
    %sub3A_215 = vector.broadcast %div3A_206 : vector<512x1xf32> to vector<512x128xf32>
    %sub3A_216 = arith.subf %add3A_200, %sub3A_215 : vector<512x128xf32>
    %add3A_217 = arith.constant 9.99999974E-6 : f32
    %add3A_218 = vector.broadcast %add3A_217 : f32 to vector<512x1xf32>
    %add3A_219 = arith.addf %div3A_214, %add3A_218 : vector<512x1xf32>
    %sqrt3A = math.sqrt %add3A_219 : vector<512x1xf32>
    %div3A_220 = vector.broadcast %sqrt3A : vector<512x1xf32> to vector<512x128xf32>
    %div3A_221 = arith.divf %sub3A_216, %div3A_220 : vector<512x128xf32>
    %get3A_222 = arith.constant 0 : index
    %get3A_223 = arith.constant 0 : index
    %get3A_224 = vector.load %arg16[%get3A_222, %get3A_223] : memref<1x128xf32, #tpu.memory_space<vmem>>, vector<1x128xf32>
    %mul3A_225 = vector.broadcast %get3A_224 : vector<1x128xf32> to vector<512x128xf32>
    %mul3A_226 = arith.mulf %div3A_221, %mul3A_225 : vector<512x128xf32>
    %get3A_227 = arith.constant 0 : index
    %get3A_228 = arith.constant 0 : index
    %get3A_229 = vector.load %arg17[%get3A_227, %get3A_228] : memref<1x128xf32, #tpu.memory_space<vmem>>, vector<1x128xf32>
    %add3A_230 = vector.broadcast %get3A_229 : vector<1x128xf32> to vector<512x128xf32>
    %add3A_231 = arith.addf %mul3A_226, %add3A_230 : vector<512x128xf32>
    %get3A_232 = arith.constant 0 : index
    %get3A_233 = arith.constant 0 : index
    %get3A_234 = vector.load %arg14[%get3A_232, %get3A_233] : memref<128x128xf32, #tpu.memory_space<vmem>>, vector<128x128xf32>
    %dot_general3A_235 = arith.constant dense<0.000000e+00> : vector<512x128xf32>
    %dot_general3A_236 = tpu.matmul %add3A_231, %get3A_234, %dot_general3A_235 {dimension_numbers = #tpu.dot_dimension_numbers<[1], [1], [0], [0], [0, 0, 1, 0], [], []>, transpose_lhs_hint = false} : vector<512x128xf32>, vector<128x128xf32>, vector<512x128xf32> -> vector<512x128xf32>
    %get3A_237 = arith.constant 0 : index
    %get3A_238 = arith.constant 0 : index
    %get3A_239 = vector.load %arg15[%get3A_237, %get3A_238] : memref<1x128xf32, #tpu.memory_space<vmem>>, vector<1x128xf32>
    %add3A_240 = vector.broadcast %get3A_239 : vector<1x128xf32> to vector<512x128xf32>
    %add3A_241 = arith.addf %dot_general3A_236, %add3A_240 : vector<512x128xf32>
    %get3A_242 = arith.constant 0 : index
    %get3A_243 = arith.constant 0 : index
    %get3A_244 = vector.load %arg5[%get3A_242, %get3A_243] : memref<512x1xf32, #tpu.memory_space<vmem>>, vector<500x1xf32>
    %max3A_245 = arith.constant 0.000000e+00 : f32
    %max3A_246 = vector.broadcast %max3A_245 : f32 to vector<500x1xf32>
    %max3A_247 = arith.maximumf %get3A_244, %max3A_246 : vector<500x1xf32>
    %abs3A_248 = math.absf %get3A_244 : vector<500x1xf32>
    %neg3A_249 = arith.constant 0.000000e+00 : f32
    %neg3A_250 = vector.broadcast %neg3A_249 : f32 to vector<500x1xf32>
    %neg3A_251 = arith.subf %neg3A_250, %abs3A_248 : vector<500x1xf32>
    %exp3A_252 = math.exp %neg3A_251 : vector<500x1xf32>
    %add3A_253 = arith.constant 1.000000e+00 : f32
    %add3A_254 = vector.broadcast %add3A_253 : f32 to vector<500x1xf32>
    %add3A_255 = arith.addf %add3A_254, %exp3A_252 : vector<500x1xf32>
    %log3A_256 = math.log %add3A_255 : vector<500x1xf32>
    %add3A_257 = arith.addf %max3A_247, %log3A_256 : vector<500x1xf32>
    %get3A_258 = arith.constant 0 : index
    %get3A_259 = arith.constant 0 : index
    %get3A_260 = vector.load %arg6[%get3A_258, %get3A_259] : memref<500x1xf32, #tpu.memory_space<vmem>>, vector<500x1xf32>
    %get3A_261 = arith.constant 0 : index
    %get3A_262 = arith.constant 0 : index
    %get3A_263 = vector.load %arg7[%get3A_261, %get3A_262] : memref<1x1xf32, #tpu.memory_space<vmem>>, vector<1x1xf32>
    %add3A_264 = vector.broadcast %get3A_263 : vector<1x1xf32> to vector<500x1xf32>
    %add3A_265 = arith.addf %get3A_260, %add3A_264 : vector<500x1xf32>
    %max3A_266 = arith.constant 0.000000e+00 : f32
    %max3A_267 = vector.broadcast %max3A_266 : f32 to vector<500x1xf32>
    %max3A_268 = arith.maximumf %add3A_265, %max3A_267 : vector<500x1xf32>
    %abs3A_269 = math.absf %add3A_265 : vector<500x1xf32>
    %neg3A_270 = arith.constant 0.000000e+00 : f32
    %neg3A_271 = vector.broadcast %neg3A_270 : f32 to vector<500x1xf32>
    %neg3A_272 = arith.subf %neg3A_271, %abs3A_269 : vector<500x1xf32>
    %exp3A_273 = math.exp %neg3A_272 : vector<500x1xf32>
    %add3A_274 = arith.constant 1.000000e+00 : f32
    %add3A_275 = vector.broadcast %add3A_274 : f32 to vector<500x1xf32>
    %add3A_276 = arith.addf %add3A_275, %exp3A_273 : vector<500x1xf32>
    %log3A_277 = math.log %add3A_276 : vector<500x1xf32>
    %add3A_278 = arith.addf %max3A_268, %log3A_277 : vector<500x1xf32>
    %mul3A_279 = arith.mulf %add3A_257, %add3A_278 : vector<500x1xf32>
    %mul3A_280 = vector.broadcast %mul3A_170 : vector<512x1xf32> to vector<512x128xf32>
    %mul3A_281 = arith.mulf %dot_general3A_163, %mul3A_280 : vector<512x128xf32>
    %swap3A_282 = arith.constant 0 : index
    %swap3A_283 = arith.constant 0 : index
    %swap3A_284 = vector.load %arg18[%swap3A_282, %swap3A_283] : memref<512x384xf32, #tpu.memory_space<vmem>>, vector<512x128xf32>
    tpu.vector_store %arg18[%swap3A_282, %swap3A_283], %mul3A_281 {strides = array<i32>} : memref<512x384xf32, #tpu.memory_space<vmem>>, vector<512x128xf32>,
    %swap3A_285 = arith.constant 0 : index
    %swap3A_286 = arith.constant 128 : index
    %swap3A_287 = vector.load %arg18[%swap3A_285, %swap3A_286] : memref<512x384xf32, #tpu.memory_space<vmem>>, vector<512x128xf32>
    tpu.vector_store %arg18[%swap3A_285, %swap3A_286], %add3A_241 {strides = array<i32>} : memref<512x384xf32, #tpu.memory_space<vmem>>, vector<512x128xf32>,
    %swap3A_288 = arith.constant 0 : index
    %swap3A_289 = arith.constant 256 : index
    %swap3A_290 = vector.load %arg18[%swap3A_288, %swap3A_289] : memref<512x384xf32, #tpu.memory_space<vmem>>, vector<512x128xf32>
    tpu.vector_store %arg18[%swap3A_288, %swap3A_289], %get3A_1 {strides = array<i32>} : memref<512x384xf32, #tpu.memory_space<vmem>>, vector<512x128xf32>,
    %swap3A_291 = arith.constant 0 : index
    %swap3A_292 = arith.constant 0 : index
    %swap3A_293 = vector.load %arg19[%swap3A_291, %swap3A_292] : memref<512x256xf32, #tpu.memory_space<vmem>>, vector<501x128xf32>
    tpu.vector_store %arg19[%swap3A_291, %swap3A_292], %get3A_4 {strides = array<i32>} : memref<512x256xf32, #tpu.memory_space<vmem>>, vector<501x128xf32>,
    %broadcast_in_dim3A_294 = vector.shape_cast %mul3A_279 : vector<500x1xf32> to vector<500x1xf32>
    %broadcast_in_dim3A_295 = vector.broadcast %broadcast_in_dim3A_294 : vector<500x1xf32> to vector<500x16xf32>
    %swap3A_296 = arith.constant 0 : index
    %swap3A_297 = arith.constant 128 : index
    %swap3A_298 = vector.load %arg19[%swap3A_296, %swap3A_297] : memref<512x256xf32, #tpu.memory_space<vmem>>, vector<500x16xf32>
    tpu.vector_store %arg19[%swap3A_296, %swap3A_297], %broadcast_in_dim3A_295 {strides = array<i32>} : memref<512x256xf32, #tpu.memory_space<vmem>>, vector<500x16xf32>,
    return
  }
}

</mosaic_0001>

<sc_bundles>
// kernel: kernel.4.cloned.1.call-start
scs
__scs_entry_jumppad:
0x0: {  	(pc) =	sbr.rel $0x88, $3  }
0x1: {  	(tag) =	ssettag $0x0;
	lr =	simm.s32 $0x1  }
0x2: {  	[smem:$0x3F8E] =	sst lr;
	_ =	strace $0xD0000000  }
0x3: {  	_ = 	snop  }
0x4: {  	_ = 	snop  }
0x5: {  	_ = 	snop  }
0x6: {  	_ = 	snop  }
0x7: {  	_ = 	snop  }
__scs_overlays_trampoline_lowered:
0x8: {  	[smem:$0x3F9D] =	sst s0  }
0x9: {  	[smem:$0x3F9E] =	sst s1  }
0xa: {  	[smem:$0x3F9F] =	sst s2  }
0xb: {  	[smem:$0x3FA0] =	sst s3  }
0xc: {  	[smem:$0x3FA1] =	sst s4  }
0xd: {  	[smem:$0x3FA2] =	sst s5  }
0xe: {  	[smem:$0x3FA3] =	sst s6  }
0xf: {  	[smem:$0x3FA4] =	sst s7  }
0x10: {  	[smem:$0x3FA5] =	sst s8  }
0x11: {  	[smem:$0x3FA6] =	sst s9;
	s0 =	simm.s32 @!p0 $0x0  }
0x12: {  	s1 =	sld [smem:$0x3F8C];
	s0 =	simm.s32 @p0 $0x1  }
0x13: {  	[smem:$0x3FA7] =	sst s0;
	s0 =	simm.s32 @!p1 $0x0  }
0x14: {  	s2 =	sld [smem:$0x3F8B];
	s0 =	simm.s32 @p1 $0x1  }
0x15: {  	[smem:$0x3FA8] =	sst s0;
	s0 =	simm.s32 @!p2 $0x0  }
0x16: {  	s3 =	sld [smem:$0x3FDB];
	s0 =	simm.s32 @p2 $0x1  }
0x17: {  	s4 =	simm.s32 $0x1BF5;
	[smem:$0x3FAA] =	sst s0  }
0x18: {  	s0 =	sld [smem:$0x3F8D];
	_ =	swait.ge [sflag:s4], $0x0  }
0x19: {  	s7 =	sld [smem:$0x3F8E]  }
0x1a: {  	s8 =	sadd.s32 $0xFFFFE003, lr  }
0x1b: {  	s9 =	sadd.s32 $0xFFFFFEF7, lr;
	s5 =	simm.s32 $0xFFFFFFFF;
	p2 =	slt.u32 s8, $0xFFFFF086  }
0x1c: {  	p1 =	slt.u32 s9, $0xF7A;
	s5 =	simm.s32 @!p2 $0x0  }
0x1d: {  	s5 =	simm.s32 @p1 $0x1;
	p0 =	seq.s32 s7, s2  }
0x1e: {  	s7 =	smul.u32 @!p0 $0xF7A, s2;
	p2 =	seq.s32 @!p0 s5, $0x0  }
0x1f: {  	s9 =	smul.u32 $0xF7A, s1;
	s8 =	simm.s32 @!p0 $0x1BF5;
	p2 =	por !p2, p0  }
0x20: {  	[sflag:s8] =	ssyncset.s32 @!p0 $0xFFFFF086;
	s6 =	sadd.s32 @!p0 s3, s7;
	s7 =	simm.s32 @!p0 $0x108  }
0x21: {  	s3 =	sadd.s32 s3, s9;
	s6 =	sadd.s32 @!p0 $0x88, s6;
	s7 =	simm.s32 @p2 $0x1082  }
0x22: {  	[simem:s7], [sflag:s8] =	dma.local @!p0 [hbm:s6], $0xF7A  }
0x23: {  	s9 =	sor.u32 $0xD0000000, s2;
	s6 =	simm.s32 $0x108;
	_ =	swait.ge @!p0 [sflag:s8], $0x0  }
0x24: {  	s3 =	sadd.s32 $0x88, s3;
	s6 =	simm.s32 @!p1 $0x1082;
	[sflag:s4] =	ssyncset.s32 $0xFFFFF086  }
0x25: {  	[simem:s6], [sflag:s4] =	dma.local [hbm:s3], $0xF7A  }
0x26: {  	[smem:$0x3F8E] =	sst s1;
	(tag) =	ssettag s2;
	_ =	strace s9  }
0x27: {  	s1 =	sld [smem:$0x3F9E]  }
0x28: {  	s2 =	sld [smem:$0x3F9F]  }
0x29: {  	s4 =	sld [smem:$0x3FA1]  }
0x2a: {  	p0 =	seq.s32 s5, $0x0;
	s5 =	sld [smem:$0x3FA2]  }
0x2b: {  	s6 =	sld [smem:$0x3FA3]  }
0x2c: {  	s7 =	sld [smem:$0x3FA4]  }
0x2d: {  	s3 =	simm.s32 $0x108;
	s8 =	sld [smem:$0x3FA5]  }
0x2e: {  	s3 =	simm.s32 @!p0 $0x1082;
	s9 =	sld [smem:$0x3FA6]  }
0x2f: {  	lr =	sadd.s32 s0, s3;
	s0 =	sld [smem:$0x3F9D]  }
0x30: {  	s3 =	sld [smem:$0x3FA0]  }
0x31: {  	[smem:$0x3FA9] =	sst s10  }
0x32: {  	s10 =	sld [smem:$0x3FA7];
	_ =	sdelay $0x3  }
0x33: {  	p0 =	seq.s32 s10, $0x1;
	s10 =	sld [smem:$0x3FA9];
	_ =	sdelay $0x3  }
0x34: {  	[smem:$0x3FA9] =	sst s10  }
0x35: {  	s10 =	sld [smem:$0x3FA8];
	_ =	sdelay $0x3  }
0x36: {  	p1 =	seq.s32 s10, $0x1;
	s10 =	sld [smem:$0x3FA9];
	_ =	sdelay $0x3  }
0x37: {  	[smem:$0x3FA9] =	sst s10  }
0x38: {  	s10 =	sld [smem:$0x3FAA]  }
0x39: {  	_ = 	snop;
	(pc) =	sbr.ind lr, $3  }
0x3a: {  	_ = 	snop  }
0x3b: {  	_ = 	snop  }
0x3c: {  	p2 =	seq.s32 s10, $0x1;
	s10 =	sld [smem:$0x3FA9]  }
0x3d: {  	_ =	shalt  }
0x3e: {  	_ =	shalt  }
0x3f: {  	_ =	shalt  }
0x40: {  	_ =	shalt  }
0x41: {  	_ =	shalt  }
0x42: {  	_ =	shalt  }
0x43: {  	_ =	shalt  }
0x44: {  	_ =	shalt  }
0x45: {  	_ =	shalt  }
0x46: {  	_ =	shalt  }
0x47: {  	_ =	shalt  }
0x48: {  	_ =	shalt  }
0x49: {  	_ =	shalt  }
0x4a: {  	_ =	shalt  }
0x4b: {  	_ =	shalt  }
0x4c: {  	_ =	shalt  }
0x4d: {  	_ =	shalt  }
0x4e: {  	_ =	shalt  }
0x4f: {  	_ =	shalt  }
0x50: {  	_ =	shalt  }
0x51: {  	_ =	shalt  }
0x52: {  	_ =	shalt  }
0x53: {  	_ =	shalt  }
0x54: {  	_ =	shalt  }
0x55: {  	_ =	shalt  }
0x56: {  	_ =	shalt  }
0x57: {  	_ =	shalt  }
0x58: {  	_ =	shalt  }
0x59: {  	_ =	shalt  }
0x5a: {  	_ =	shalt  }
0x5b: {  	_ =	shalt  }
0x5c: {  	_ =	shalt  }
0x5d: {  	_ =	shalt  }
0x5e: {  	_ =	shalt  }
0x5f: {  	_ =	shalt  }
0x60: {  	_ =	shalt  }
0x61: {  	_ =	shalt  }
0x62: {  	_ =	shalt  }
0x63: {  	_ =	shalt  }
0x64: {  	_ =	shalt  }
0x65: {  	_ =	shalt  }
0x66: {  	_ =	shalt  }
0x67: {  	_ =	shalt  }
0x68: {  	_ =	shalt  }
0x69: {  	_ =	shalt  }
0x6a: {  	_ =	shalt  }
0x6b: {  	_ =	shalt  }
0x6c: {  	_ =	shalt  }
0x6d: {  	_ =	shalt  }
0x6e: {  	_ =	shalt  }
0x6f: {  	_ =	shalt  }
0x70: {  	_ =	shalt  }
0x71: {  	_ =	shalt  }
0x72: {  	_ =	shalt  }
0x73: {  	_ =	shalt  }
0x74: {  	_ =	shalt  }
0x75: {  	_ =	shalt  }
0x76: {  	_ =	shalt  }
0x77: {  	_ =	shalt  }
0x78: {  	_ =	shalt  }
0x79: {  	_ =	shalt  }
0x7a: {  	_ =	shalt  }
0x7b: {  	_ =	shalt  }
0x7c: {  	_ =	shalt  }
0x7d: {  	_ =	shalt  }
0x7e: {  	_ =	shalt  }
0x7f: {  	_ =	shalt  }
0x80: {  	_ =	shalt  }
0x81: {  	_ =	shalt  }
0x82: {  	_ =	shalt  }
0x83: {  	_ =	shalt  }
0x84: {  	_ =	shalt  }
0x85: {  	_ =	shalt  }
0x86: {  	_ =	shalt  }
0x87: {  	_ =	shalt  }
.Lfunc_end0:
.L_simem_size_0:
called_computation_lowered:
.L_overlay_start_0:
0x88: {  	s2 =	sld [smem:$0x3FD9]  }
0x89: {  	s3 =	sld [smem:$0x3FFE];
	_ =	sdelay $0x1  }
0x8a: {  	s1 =	srdreg.scid  }
0x8b: {  	s0 =	sand.u32 $0x1, s1  }
0x8c: {  	s17 =	sshll.u32 s0, $0xA;
	s2 =	sadd.s32 s3, s2  }
0x8d: {  	s2 =	sadd.s32 s2, s17  }
0x8e: {  	[smem:$0x3FB5] =	sst s2  }
0x8f: {  	_ = 	snop  }
0x90: {  	s2 =	sld [smem:$0x3FD0];
	(tm) =	ssettm $0x1  }
0x91: {  	s18 =	sld [smem:$0x3FFB];
	_ =	sdelay $0x3  }
0x92: {  	_ =	strace s18  }
0x93: {  	s3 =	sld [smem:$0x3FFC];
	_ =	sdelay $0x3  }
0x94: {  	_ =	strace s3  }
0x95: {  	s3 =	sld [smem:$0x3FFD];
	_ =	sdelay $0x3  }
0x96: {  	_ =	strace s3  }
0x97: {  	_ =	strace $0x8FFFFFFF  }
0x98: {  	s19 =	sld [smem:$0x3FDB];
	_ =	sdelay $0x1  }
0x99: {  	s4 =	simm.s32 $_scs_section_size  }
0x9a: {  	s5 =	simm.s32 $_size__tile_overlayer_lowered;
	s6 =	simm.s32 $_tile_overlayer_lowered  }
0x9b: {  	s22 =	simm.s32 $0x1BFF;
	s21 =	sshll.u32 s6, $0x1;
	s3 =	sadd.s32 s4, s19  }
0x9c: {  	s7 =	simm.s32 $0x0;
	s20 =	sshll.u32 s5, $0x1;
	s5 =	sadd.s32 s21, s3  }
0x9d: {  	[timem:s7], [sflag:s22] =	dma.local [hbm:s5], s20  }
0x9e: {  	_ =	swait.ge [sflag:s22], s20  }
0x9f: {  	s4 =	ssub.s32 $0x0, s20;
	[sflag:s22] =	ssyncset.done $0x0  }
0xa0: {  	[sflag:s22] =	ssyncadd.s32 s4;
	_ =	sdelay $0x1  }
0xa1: {  	s23 =	simm.s32 $0x1B8B  }
0xa2: {  	_ =	swait.ge [sflag:s23], $0x1  }
0xa3: {  	[sflag:s23] =	ssyncset.done $0x0  }
0xa4: {  	s25 =	simm.s32 $0x1B8E;
	s24 =	sld [smem:$0x3FFE];
	[sflag:s23] =	ssyncadd.s32 $0xFFFFFFFF  }
0xa5: {  	s26 =	simm.s32 $execute0_lowered;
	[smem:$0x3FD2] =	sst s25  }
0xa6: {  	s5 =	sshll.u32 s26, $0x1;
	_ =	strace $0x80000046;
	[dreg:$0x1] =	wrdreg $0xFFFFFFFF  }
0xa7: {  	s28 =	simm.s32 $_size_execute0_lowered;
	s3 =	sadd.s32 s3, s5;
	[dreg:$0x0] =	wrdreg $0x0  }
0xa8: {  	s5 =	sshll.u32 s28, $0x1;
	[dreg:$0x2] =	wrdreg s3  }
0xa9: {  	[dreg:$0x3] =	wrdreg s5  }
0xaa: {  	[dreg:$0x4] =	wrdreg $0xC0  }
0xab: {  	_ =	task [dreg:s7], $0x5FFFF  }
0xac: {  	[dreg:$0x1] =	wrdreg $0xFFFFFFFF  }
0xad: {  	[dreg:$0x0] =	wrdreg $0x60  }
0xae: {  	[dreg:$0x2] =	wrdreg s24  }
0xaf: {  	[dreg:$0x3] =	wrdreg s2  }
0xb0: {  	[dreg:$0x4] =	wrdreg $0x9  }
0xb1: {  	_ =	task.clear_ibuf [dreg:s7], $0x5FFFF;
	_ =	strace $0x90000046  }
0xb2: {  	s29 =	simm.s32 $0x9;
	_ =	strace $0x80000048  }
0xb3: {  	_ =	swait.ge [sflag:s29], $0x1  }
0xb4: {  	[sflag:s29] =	ssyncadd.s32 $0xFFFFFFFF  }
0xb5: {  	_ =	strace $0x90000048  }
0xb6: {  	_ =	sfence  }
0xb7: {  	s30 =	sld [smem:$0x0];
	_ =	sdelay $0x2  }
0xb8: {  	s31 =	sshll.u32 s1, $0xD;
	s1 =	sshrl.u32 s1, $0x2  }
0xb9: {  	s3 =	sand.u32 $0x4000, s31;
	s1 =	sadd.s32 s1, s30  }
0xba: {  	s0 =	sor.u32 s3, s0;
	s1 =	sshll.u32 s1, $0x11  }
0xbb: {  	s0 =	sor.u32 s1, s0  }
0xbc: {  	s0 =	sadd.s32 $0x8F2B, s0  }
0xbd: {  	[sflag:s0] =	ssyncadd.remote.s32 $0x1  }
0xbe: {  	_ =	sfence.sel $0xFFFF  }
0xbf: {  	[dreg:$0x0] =	wrdreg $0xFFFFFFFF;
	(pc) =	sbr.abs _section_cstart, $3  }
0xc0: {  	[dreg:$0x1] =	wrdreg $0xFFFFFFFF  }
0xc1: {  	_ =	task.clear_ibuf [dreg:s7], $0x2FFFF;
	_ =	strace $0x9FFFFFFF  }
0xc2: {  	(tm) =	ssettm $0x7FFFFFFF  }
0xc3: {  	_ =	shalt  }
tec
execute0_lowered:
.L_overlay_start_1:
0x0: {  	(tag) =	ssettag $0x1  }
0x1: {  	s0 =	rddreg [dreg:$0x0]  }
0x2: {  	s1 =	rddreg [dreg:$0x1];
	s3 =	srdreg.scid  }
0x3: {  	s8 =	simm.s32 $0x0;
	s2 =	stileid.u32;
	s3 =	sand.u32 $0x1, s3  }
0x4: {  	[smem:$0x7FF] =	sst s8;
	s4 =	sshll.u32 s2, $0x8;
	s25 =	sadd.s32 $0x3A00, s0  }
0x5: {  	s26 =	sadd.s32 $0x9A00, s0;
	s5 =	sshll.u32 s3, $0x7;
	_ =	strace $0x80000047  }
0x6: {  	s3 =	ssub.s32 $0x2, s3;
	[dreg:$0x3] =	wrdreg s25;
	s5 =	sor.u32 s5, s4  }
0x7: {  	[dreg:$0x4] =	wrdreg s26;
	s7 =	sshrl.u32 s3, $0x1;
	s6 =	sshrl.u32 s5, $0x3  }
0x8: {  	s5 =	sshll.u32 s5, $0x4;
	s6 =	sadd.s32 s6, s0;
	s0 =	sadd.s32 $0x3B00, s0  }
0x9: {  	s3 =	ssub.s32 s3, s7;
	s30 =	sadd.s32 s1, s5;
	[dreg:$0x7] =	wrdreg s0  }
0xa: {  	s31 =	smax.u32 s3, $0x1;
	[dreg:$0x8] =	wrdreg s30  }
0xb: {  	v2 =	vlaneseq.u32;
	s28 =	sadd.s32 $0x3800, s6;
	[dreg:$0x9] =	wrdreg s31  }
0xc: {  	vm0 =	vmmov $0xffff;
	vm1 =	vmmov $0xff;
	v1 =	vshrl.u32 v2, $0x3;
	s29 =	sadd.s32 $0x3600, s6;
	[dreg:$0x5] =	wrdreg s28  }
0xd: {  	v0 =	vand.u32 $0x7, v2;
	v2 =	vor.u32 $0x8, v2;
	s2 =	simm.s32 $0x0;
	v1 =	vmul.u32 $0x8, v1;
	s1 =	simm.s32 $0x3;
	[dreg:$0x6] =	wrdreg s29  }
.LBB2_1:
0xe: {  	[dreg:$0xa] =	wrdreg s2  }
0xf: {  	s0 =	rddreg [dreg:$0x5]  }
0x10: {  	[tilespmem:s8], [sflag:$0x3] =	stream.linear.gather [hbm4b:s0+s8], $0x80, $0x38;
	[tilespmem:$0x18100] =	vst v63  }
0x11: {  	_ =	swait.ge [sflag:s1], $0x80  }
0x12: {  	[sflag:s1] =	ssyncset.done $0x0  }
0x13: {  	s18 =	simm.s32 $0x80;
	s17 =	rddreg [dreg:$0x6];
	[sflag:s1] =	ssyncadd.s32 $0xFFFFFF80  }
0x14: {  	[tilespmem:s18], [sflag:$0x3] =	stream.linear.gather [hbm4b:s17+s8], $0x80, $0x38;
	[tilespmem:$0x18100] =	vst v63  }
0x15: {  	_ =	swait.ge [sflag:s1], $0x80  }
0x16: {  	[sflag:s1] =	ssyncset.done $0x0  }
0x17: {  	[sflag:s1] =	ssyncadd.s32 $0xFFFFFF80  }
0x18: {  	v3 =	vld [tilespmem:$0x0];
	_ =	sdelay $0x4  }
0x19: {  	v4 =	vshrl.u32 v3, $0x3  }
0x1a: {  	v4 =	vmul.u32 $0x18, v4  }
0x1b: {  	v3 =	vand.u32 $0x7, v3  }
0x1c: {  	v3 =	vor.u32 v3, v4  }
0x1d: {  	v4 =	vperm.xlane v3, v0;
	_ =	sdelay $0x1  }
0x1e: {  	v4 =	vadd.s32 v1, v4;
	_ =	sdelay $0x1  }
0x1f: {  	v3 =	vperm.xlane v3, v2;
	_ =	sdelay $0x1  }
0x20: {  	s19 =	simm.s32 $0x100;
	s0 =	rddreg [dreg:$0x3];
	v3 =	vadd.s32 v1, v3  }
0x21: {  	[tilespmem:s19], [sflag:$0x1] =	stream.indirect_vreg.gather [hbm4b:s0+s8], $0x80, v4, vm0, $0xb8;
	[tilespmem:$0x18100] =	vst v63  }
0x22: {  	s20 =	simm.s32 $0x900;
	s1 =	rddreg [dreg:$0x7]  }
0x23: {  	[tilespmem:s20], [sflag:$0x1] =	stream.indirect_vreg.gather [hbm4b:s1+s8], $0x80, v4, vm1, $0xb8;
	[tilespmem:$0x18100] =	vst v63  }
0x24: {  	s21 =	simm.s32 $0xD00  }
0x25: {  	[tilespmem:s21], [sflag:$0x1] =	stream.indirect_vreg.gather [hbm4b:s0+s8], $0x80, v3, vm0, $0xb8;
	[tilespmem:$0x18100] =	vst v63  }
0x26: {  	s22 =	simm.s32 $0x1500  }
0x27: {  	[tilespmem:s22], [sflag:$0x1] =	stream.indirect_vreg.gather [hbm4b:s1+s8], $0x80, v3, vm1, $0xb8;
	[tilespmem:$0x18100] =	vst v63  }
0x28: {  	v3 =	vld [tilespmem:$0x10];
	_ =	sdelay $0x4  }
0x29: {  	v4 =	vshrl.u32 v3, $0x3  }
0x2a: {  	v4 =	vmul.u32 $0x18, v4  }
0x2b: {  	v3 =	vand.u32 $0x7, v3  }
0x2c: {  	v3 =	vor.u32 v3, v4  }
0x2d: {  	v4 =	vperm.xlane v3, v0;
	_ =	sdelay $0x1  }
0x2e: {  	v4 =	vadd.s32 v1, v4;
	_ =	sdelay $0x1  }
0x2f: {  	v3 =	vperm.xlane v3, v2;
	_ =	sdelay $0x1  }
0x30: {  	s23 =	simm.s32 $0x1900;
	v3 =	vadd.s32 v1, v3  }
0x31: {  	[tilespmem:s23], [sflag:$0x1] =	stream.indirect_vreg.gather [hbm4b:s0+s8], $0x80, v4, vm0, $0xb8;
	[tilespmem:$0x18100] =	vst v63  }
0x32: {  	s24 =	simm.s32 $0x2100  }
0x33: {  	[tilespmem:s24], [sflag:$0x1] =	stream.indirect_vreg.gather [hbm4b:s1+s8], $0x80, v4, vm1, $0xb8;
	[tilespmem:$0x18100] =	vst v63  }
0x34: {  	s25 =	simm.s32 $0x2500  }
0x35: {  	[tilespmem:s25], [sflag:$0x1] =	stream.indirect_vreg.gather [hbm4b:s0+s8], $0x80, v3, vm0, $0xb8;
	[tilespmem:$0x18100] =	vst v63  }
0x36: {  	s26 =	simm.s32 $0x2D00  }
0x37: {  	[tilespmem:s26], [sflag:$0x1] =	stream.indirect_vreg.gather [hbm4b:s1+s8], $0x80, v3, vm1, $0xb8;
	[tilespmem:$0x18100] =	vst v63  }
0x38: {  	v3 =	vld [tilespmem:$0x20];
	_ =	sdelay $0x4  }
0x39: {  	v4 =	vshrl.u32 v3, $0x3  }
0x3a: {  	v4 =	vmul.u32 $0x18, v4  }
0x3b: {  	v3 =	vand.u32 $0x7, v3  }
0x3c: {  	v3 =	vor.u32 v3, v4  }
0x3d: {  	v4 =	vperm.xlane v3, v0;
	_ =	sdelay $0x1  }
0x3e: {  	v4 =	vadd.s32 v1, v4;
	_ =	sdelay $0x1  }
0x3f: {  	v3 =	vperm.xlane v3, v2;
	_ =	sdelay $0x1  }
0x40: {  	s3 =	simm.s32 $0x3100;
	v3 =	vadd.s32 v1, v3  }
0x41: {  	[tilespmem:s3], [sflag:$0x1] =	stream.indirect_vreg.gather [hbm4b:s0+s8], $0x80, v4, vm0, $0xb8;
	[tilespmem:$0x18100] =	vst v63  }
0x42: {  	s4 =	simm.s32 $0x3900  }
0x43: {  	[tilespmem:s4], [sflag:$0x1] =	stream.indirect_vreg.gather [hbm4b:s1+s8], $0x80, v4, vm1, $0xb8;
	[tilespmem:$0x18100] =	vst v63  }
0x44: {  	s5 =	simm.s32 $0x3D00  }
0x45: {  	[tilespmem:s5], [sflag:$0x1] =	stream.indirect_vreg.gather [hbm4b:s0+s8], $0x80, v3, vm0, $0xb8;
	[tilespmem:$0x18100] =	vst v63  }
0x46: {  	s6 =	simm.s32 $0x4500  }
0x47: {  	[tilespmem:s6], [sflag:$0x1] =	stream.indirect_vreg.gather [hbm4b:s1+s8], $0x80, v3, vm1, $0xb8;
	[tilespmem:$0x18100] =	vst v63  }
0x48: {  	v3 =	vld [tilespmem:$0x30];
	_ =	sdelay $0x4  }
0x49: {  	v4 =	vshrl.u32 v3, $0x3  }
0x4a: {  	v4 =	vmul.u32 $0x18, v4  }
0x4b: {  	v3 =	vand.u32 $0x7, v3  }
0x4c: {  	v3 =	vor.u32 v3, v4  }
0x4d: {  	v4 =	vperm.xlane v3, v0;
	_ =	sdelay $0x1  }
0x4e: {  	v4 =	vadd.s32 v1, v4;
	_ =	sdelay $0x1  }
0x4f: {  	v3 =	vperm.xlane v3, v2;
	_ =	sdelay $0x1  }
0x50: {  	s7 =	simm.s32 $0x4900;
	v3 =	vadd.s32 v1, v3  }
0x51: {  	[tilespmem:s7], [sflag:$0x1] =	stream.indirect_vreg.gather [hbm4b:s0+s8], $0x80, v4, vm0, $0xb8;
	[tilespmem:$0x18100] =	vst v63  }
0x52: {  	s9 =	simm.s32 $0x5100  }
0x53: {  	[tilespmem:s9], [sflag:$0x1] =	stream.indirect_vreg.gather [hbm4b:s1+s8], $0x80, v4, vm1, $0xb8;
	[tilespmem:$0x18100] =	vst v63  }
0x54: {  	s10 =	simm.s32 $0x5500  }
0x55: {  	[tilespmem:s10], [sflag:$0x1] =	stream.indirect_vreg.gather [hbm4b:s0+s8], $0x80, v3, vm0, $0xb8;
	[tilespmem:$0x18100] =	vst v63  }
0x56: {  	s11 =	simm.s32 $0x5D00  }
0x57: {  	[tilespmem:s11], [sflag:$0x1] =	stream.indirect_vreg.gather [hbm4b:s1+s8], $0x80, v3, vm1, $0xb8;
	[tilespmem:$0x18100] =	vst v63  }
0x58: {  	v3 =	vld [tilespmem:$0x40];
	_ =	sdelay $0x4  }
0x59: {  	v4 =	vshrl.u32 v3, $0x3  }
0x5a: {  	v4 =	vmul.u32 $0x18, v4  }
0x5b: {  	v3 =	vand.u32 $0x7, v3  }
0x5c: {  	v3 =	vor.u32 v3, v4  }
0x5d: {  	v4 =	vperm.xlane v3, v0;
	_ =	sdelay $0x1  }
0x5e: {  	v4 =	vadd.s32 v1, v4;
	_ =	sdelay $0x1  }
0x5f: {  	v3 =	vperm.xlane v3, v2;
	_ =	sdelay $0x1  }
0x60: {  	s12 =	simm.s32 $0x6100;
	v3 =	vadd.s32 v1, v3  }
0x61: {  	[tilespmem:s12], [sflag:$0x1] =	stream.indirect_vreg.gather [hbm4b:s0+s8], $0x80, v4, vm0, $0xb8;
	[tilespmem:$0x18100] =	vst v63  }
0x62: {  	s13 =	simm.s32 $0x6900  }
0x63: {  	[tilespmem:s13], [sflag:$0x1] =	stream.indirect_vreg.gather [hbm4b:s1+s8], $0x80, v4, vm1, $0xb8;
	[tilespmem:$0x18100] =	vst v63  }
0x64: {  	s14 =	simm.s32 $0x6D00  }
0x65: {  	[tilespmem:s14], [sflag:$0x1] =	stream.indirect_vreg.gather [hbm4b:s0+s8], $0x80, v3, vm0, $0xb8;
	[tilespmem:$0x18100] =	vst v63  }
0x66: {  	s15 =	simm.s32 $0x7500  }
0x67: {  	[tilespmem:s15], [sflag:$0x1] =	stream.indirect_vreg.gather [hbm4b:s1+s8], $0x80, v3, vm1, $0xb8;
	[tilespmem:$0x18100] =	vst v63  }
0x68: {  	v3 =	vld [tilespmem:$0x50];
	_ =	sdelay $0x4  }
0x69: {  	v4 =	vshrl.u32 v3, $0x3  }
0x6a: {  	v4 =	vmul.u32 $0x18, v4  }
0x6b: {  	v3 =	vand.u32 $0x7, v3  }
0x6c: {  	v3 =	vor.u32 v3, v4  }
0x6d: {  	v4 =	vperm.xlane v3, v0;
	_ =	sdelay $0x1  }
0x6e: {  	v4 =	vadd.s32 v1, v4;
	_ =	sdelay $0x1  }
0x6f: {  	v3 =	vperm.xlane v3, v2;
	_ =	sdelay $0x1  }
0x70: {  	s16 =	simm.s32 $0x7900;
	v3 =	vadd.s32 v1, v3  }
0x71: {  	[tilespmem:s16], [sflag:$0x1] =	stream.indirect_vreg.gather [hbm4b:s0+s8], $0x80, v4, vm0, $0xb8;
	[tilespmem:$0x18100] =	vst v63  }
0x72: {  	s17 =	simm.s32 $0x8100  }
0x73: {  	[tilespmem:s17], [sflag:$0x1] =	stream.indirect_vreg.gather [hbm4b:s1+s8], $0x80, v4, vm1, $0xb8;
	[tilespmem:$0x18100] =	vst v63  }
0x74: {  	s18 =	simm.s32 $0x8500  }
0x75: {  	[tilespmem:s18], [sflag:$0x1] =	stream.indirect_vreg.gather [hbm4b:s0+s8], $0x80, v3, vm0, $0xb8;
	[tilespmem:$0x18100] =	vst v63  }
0x76: {  	s19 =	simm.s32 $0x8D00  }
0x77: {  	[tilespmem:s19], [sflag:$0x1] =	stream.indirect_vreg.gather [hbm4b:s1+s8], $0x80, v3, vm1, $0xb8;
	[tilespmem:$0x18100] =	vst v63  }
0x78: {  	v3 =	vld [tilespmem:$0x60];
	_ =	sdelay $0x4  }
0x79: {  	v4 =	vshrl.u32 v3, $0x3  }
0x7a: {  	v4 =	vmul.u32 $0x18, v4  }
0x7b: {  	v3 =	vand.u32 $0x7, v3  }
0x7c: {  	v3 =	vor.u32 v3, v4  }
0x7d: {  	v4 =	vperm.xlane v3, v0;
	_ =	sdelay $0x1  }
0x7e: {  	v4 =	vadd.s32 v1, v4;
	_ =	sdelay $0x1  }
0x7f: {  	v3 =	vperm.xlane v3, v2;
	_ =	sdelay $0x1  }
0x80: {  	s20 =	simm.s32 $0x9100;
	v3 =	vadd.s32 v1, v3  }
0x81: {  	[tilespmem:s20], [sflag:$0x1] =	stream.indirect_vreg.gather [hbm4b:s0+s8], $0x80, v4, vm0, $0xb8;
	[tilespmem:$0x18100] =	vst v63  }
0x82: {  	s21 =	simm.s32 $0x9900  }
0x83: {  	[tilespmem:s21], [sflag:$0x1] =	stream.indirect_vreg.gather [hbm4b:s1+s8], $0x80, v4, vm1, $0xb8;
	[tilespmem:$0x18100] =	vst v63  }
0x84: {  	s22 =	simm.s32 $0x9D00  }
0x85: {  	[tilespmem:s22], [sflag:$0x1] =	stream.indirect_vreg.gather [hbm4b:s0+s8], $0x80, v3, vm0, $0xb8;
	[tilespmem:$0x18100] =	vst v63  }
0x86: {  	s23 =	simm.s32 $0xA500  }
0x87: {  	[tilespmem:s23], [sflag:$0x1] =	stream.indirect_vreg.gather [hbm4b:s1+s8], $0x80, v3, vm1, $0xb8;
	[tilespmem:$0x18100] =	vst v63  }
0x88: {  	v3 =	vld [tilespmem:$0x70];
	_ =	sdelay $0x4  }
0x89: {  	v4 =	vshrl.u32 v3, $0x3  }
0x8a: {  	v4 =	vmul.u32 $0x18, v4  }
0x8b: {  	v3 =	vand.u32 $0x7, v3  }
0x8c: {  	v3 =	vor.u32 v3, v4  }
0x8d: {  	v4 =	vperm.xlane v3, v0;
	_ =	sdelay $0x1  }
0x8e: {  	v4 =	vadd.s32 v1, v4;
	_ =	sdelay $0x1  }
0x8f: {  	v3 =	vperm.xlane v3, v2;
	_ =	sdelay $0x1  }
0x90: {  	s24 =	simm.s32 $0xA900;
	v3 =	vadd.s32 v1, v3  }
0x91: {  	[tilespmem:s24], [sflag:$0x1] =	stream.indirect_vreg.gather [hbm4b:s0+s8], $0x80, v4, vm0, $0xb8;
	[tilespmem:$0x18100] =	vst v63  }
0x92: {  	s25 =	simm.s32 $0xB100  }
0x93: {  	[tilespmem:s25], [sflag:$0x1] =	stream.indirect_vreg.gather [hbm4b:s1+s8], $0x80, v4, vm1, $0xb8;
	[tilespmem:$0x18100] =	vst v63  }
0x94: {  	s26 =	simm.s32 $0xB500  }
0x95: {  	[tilespmem:s26], [sflag:$0x1] =	stream.indirect_vreg.gather [hbm4b:s0+s8], $0x80, v3, vm0, $0xb8;
	[tilespmem:$0x18100] =	vst v63  }
0x96: {  	s3 =	simm.s32 $0xBD00  }
0x97: {  	[tilespmem:s3], [sflag:$0x1] =	stream.indirect_vreg.gather [hbm4b:s1+s8], $0x80, v3, vm1, $0xb8;
	[tilespmem:$0x18100] =	vst v63  }
0x98: {  	v3 =	vld [tilespmem:$0x80];
	_ =	sdelay $0x4  }
0x99: {  	v4 =	vshll.u32 v3, $0x1  }
0x9a: {  	v3 =	vand.u32 $0x7, v3;
	v4 =	vand.u32 $0xFFFFFFF0, v4  }
0x9b: {  	v3 =	vor.u32 v3, v4  }
0x9c: {  	v4 =	vperm.xlane v3, v0;
	_ =	sdelay $0x1  }
0x9d: {  	v3 =	vperm.xlane v3, v2;
	v4 =	vadd.s32 v1, v4;
	_ =	sdelay $0x1  }
0x9e: {  	v3 =	vadd.s32 v1, v3;
	_ =	sdelay $0x1  }
0x9f: {  	s4 =	rddreg [dreg:$0x4];
	s5 =	simm.s32 $0xC100  }
0xa0: {  	[tilespmem:s5], [sflag:$0x2] =	stream.indirect_vreg.gather [hbm4b:s4+s8], $0x80, v4, vm0, $0xb8;
	[tilespmem:$0x18100] =	vst v63  }
0xa1: {  	s6 =	simm.s32 $0xC900  }
0xa2: {  	[tilespmem:s6], [sflag:$0x2] =	stream.indirect_vreg.gather [hbm4b:s4+s8], $0x80, v3, vm0, $0xb8;
	[tilespmem:$0x18100] =	vst v63  }
0xa3: {  	v3 =	vld [tilespmem:$0x90];
	_ =	sdelay $0x4  }
0xa4: {  	v4 =	vshll.u32 v3, $0x1  }
0xa5: {  	v3 =	vand.u32 $0x7, v3;
	v4 =	vand.u32 $0xFFFFFFF0, v4  }
0xa6: {  	v3 =	vor.u32 v3, v4  }
0xa7: {  	v4 =	vperm.xlane v3, v0;
	_ =	sdelay $0x1  }
0xa8: {  	v3 =	vperm.xlane v3, v2;
	v4 =	vadd.s32 v1, v4;
	_ =	sdelay $0x1  }
0xa9: {  	v3 =	vadd.s32 v1, v3;
	_ =	sdelay $0x1  }
0xaa: {  	s7 =	simm.s32 $0xD100  }
0xab: {  	[tilespmem:s7], [sflag:$0x2] =	stream.indirect_vreg.gather [hbm4b:s4+s8], $0x80, v4, vm0, $0xb8;
	[tilespmem:$0x18100] =	vst v63  }
0xac: {  	s9 =	simm.s32 $0xD900  }
0xad: {  	[tilespmem:s9], [sflag:$0x2] =	stream.indirect_vreg.gather [hbm4b:s4+s8], $0x80, v3, vm0, $0xb8;
	[tilespmem:$0x18100] =	vst v63  }
0xae: {  	v3 =	vld [tilespmem:$0xA0];
	_ =	sdelay $0x4  }
0xaf: {  	v4 =	vshll.u32 v3, $0x1  }
0xb0: {  	v3 =	vand.u32 $0x7, v3;
	v4 =	vand.u32 $0xFFFFFFF0, v4  }
0xb1: {  	v3 =	vor.u32 v3, v4  }
0xb2: {  	v4 =	vperm.xlane v3, v0;
	_ =	sdelay $0x1  }
0xb3: {  	v3 =	vperm.xlane v3, v2;
	v4 =	vadd.s32 v1, v4;
	_ =	sdelay $0x1  }
0xb4: {  	v3 =	vadd.s32 v1, v3;
	_ =	sdelay $0x1  }
0xb5: {  	s10 =	simm.s32 $0xE100  }
0xb6: {  	[tilespmem:s10], [sflag:$0x2] =	stream.indirect_vreg.gather [hbm4b:s4+s8], $0x80, v4, vm0, $0xb8;
	[tilespmem:$0x18100] =	vst v63  }
0xb7: {  	s11 =	simm.s32 $0xE900  }
0xb8: {  	[tilespmem:s11], [sflag:$0x2] =	stream.indirect_vreg.gather [hbm4b:s4+s8], $0x80, v3, vm0, $0xb8;
	[tilespmem:$0x18100] =	vst v63  }
0xb9: {  	v3 =	vld [tilespmem:$0xB0];
	_ =	sdelay $0x4  }
0xba: {  	v4 =	vshll.u32 v3, $0x1  }
0xbb: {  	v3 =	vand.u32 $0x7, v3;
	v4 =	vand.u32 $0xFFFFFFF0, v4  }
0xbc: {  	v3 =	vor.u32 v3, v4  }
0xbd: {  	v4 =	vperm.xlane v3, v0;
	_ =	sdelay $0x1  }
0xbe: {  	v3 =	vperm.xlane v3, v2;
	v4 =	vadd.s32 v1, v4;
	_ =	sdelay $0x1  }
0xbf: {  	v3 =	vadd.s32 v1, v3;
	_ =	sdelay $0x1  }
0xc0: {  	s12 =	simm.s32 $0xF100  }
0xc1: {  	[tilespmem:s12], [sflag:$0x2] =	stream.indirect_vreg.gather [hbm4b:s4+s8], $0x80, v4, vm0, $0xb8;
	[tilespmem:$0x18100] =	vst v63  }
0xc2: {  	s13 =	simm.s32 $0xF900  }
0xc3: {  	[tilespmem:s13], [sflag:$0x2] =	stream.indirect_vreg.gather [hbm4b:s4+s8], $0x80, v3, vm0, $0xb8;
	[tilespmem:$0x18100] =	vst v63  }
0xc4: {  	v3 =	vld [tilespmem:$0xC0];
	_ =	sdelay $0x4  }
0xc5: {  	v4 =	vshll.u32 v3, $0x1  }
0xc6: {  	v3 =	vand.u32 $0x7, v3;
	v4 =	vand.u32 $0xFFFFFFF0, v4  }
0xc7: {  	v3 =	vor.u32 v3, v4  }
0xc8: {  	v4 =	vperm.xlane v3, v0;
	_ =	sdelay $0x1  }
0xc9: {  	v3 =	vperm.xlane v3, v2;
	v4 =	vadd.s32 v1, v4;
	_ =	sdelay $0x1  }
0xca: {  	v3 =	vadd.s32 v1, v3;
	_ =	sdelay $0x1  }
0xcb: {  	s14 =	simm.s32 $0x10100  }
0xcc: {  	[tilespmem:s14], [sflag:$0x2] =	stream.indirect_vreg.gather [hbm4b:s4+s8], $0x80, v4, vm0, $0xb8;
	[tilespmem:$0x18100] =	vst v63  }
0xcd: {  	s15 =	simm.s32 $0x10900  }
0xce: {  	[tilespmem:s15], [sflag:$0x2] =	stream.indirect_vreg.gather [hbm4b:s4+s8], $0x80, v3, vm0, $0xb8;
	[tilespmem:$0x18100] =	vst v63  }
0xcf: {  	v3 =	vld [tilespmem:$0xD0];
	_ =	sdelay $0x4  }
0xd0: {  	v4 =	vshll.u32 v3, $0x1  }
0xd1: {  	v3 =	vand.u32 $0x7, v3;
	v4 =	vand.u32 $0xFFFFFFF0, v4  }
0xd2: {  	v3 =	vor.u32 v3, v4  }
0xd3: {  	v4 =	vperm.xlane v3, v0;
	_ =	sdelay $0x1  }
0xd4: {  	v3 =	vperm.xlane v3, v2;
	v4 =	vadd.s32 v1, v4;
	_ =	sdelay $0x1  }
0xd5: {  	v3 =	vadd.s32 v1, v3;
	_ =	sdelay $0x1  }
0xd6: {  	s16 =	simm.s32 $0x11100  }
0xd7: {  	[tilespmem:s16], [sflag:$0x2] =	stream.indirect_vreg.gather [hbm4b:s4+s8], $0x80, v4, vm0, $0xb8;
	[tilespmem:$0x18100] =	vst v63  }
0xd8: {  	s17 =	simm.s32 $0x11900  }
0xd9: {  	[tilespmem:s17], [sflag:$0x2] =	stream.indirect_vreg.gather [hbm4b:s4+s8], $0x80, v3, vm0, $0xb8;
	[tilespmem:$0x18100] =	vst v63  }
0xda: {  	v3 =	vld [tilespmem:$0xE0];
	_ =	sdelay $0x4  }
0xdb: {  	v4 =	vshll.u32 v3, $0x1  }
0xdc: {  	v3 =	vand.u32 $0x7, v3;
	v4 =	vand.u32 $0xFFFFFFF0, v4  }
0xdd: {  	v3 =	vor.u32 v3, v4  }
0xde: {  	v4 =	vperm.xlane v3, v0;
	_ =	sdelay $0x1  }
0xdf: {  	v3 =	vperm.xlane v3, v2;
	v4 =	vadd.s32 v1, v4;
	_ =	sdelay $0x1  }
0xe0: {  	v3 =	vadd.s32 v1, v3;
	_ =	sdelay $0x1  }
0xe1: {  	s18 =	simm.s32 $0x12100  }
0xe2: {  	[tilespmem:s18], [sflag:$0x2] =	stream.indirect_vreg.gather [hbm4b:s4+s8], $0x80, v4, vm0, $0xb8;
	[tilespmem:$0x18100] =	vst v63  }
0xe3: {  	s19 =	simm.s32 $0x12900  }
0xe4: {  	[tilespmem:s19], [sflag:$0x2] =	stream.indirect_vreg.gather [hbm4b:s4+s8], $0x80, v3, vm0, $0xb8;
	[tilespmem:$0x18100] =	vst v63  }
0xe5: {  	v3 =	vld [tilespmem:$0xF0];
	_ =	sdelay $0x4  }
0xe6: {  	v4 =	vshll.u32 v3, $0x1  }
0xe7: {  	v3 =	vand.u32 $0x7, v3;
	v4 =	vand.u32 $0xFFFFFFF0, v4  }
0xe8: {  	v3 =	vor.u32 v3, v4  }
0xe9: {  	v4 =	vperm.xlane v3, v0;
	_ =	sdelay $0x1  }
0xea: {  	v3 =	vperm.xlane v3, v2;
	v4 =	vadd.s32 v1, v4;
	_ =	sdelay $0x1  }
0xeb: {  	v3 =	vadd.s32 v1, v3;
	_ =	sdelay $0x1  }
0xec: {  	s20 =	simm.s32 $0x13100  }
0xed: {  	[tilespmem:s20], [sflag:$0x2] =	stream.indirect_vreg.gather [hbm4b:s4+s8], $0x80, v4, vm0, $0xb8;
	[tilespmem:$0x18100] =	vst v63  }
0xee: {  	s21 =	simm.s32 $0x13900;
	s22 =	simm.s32 $0x1  }
0xef: {  	[tilespmem:s21], [sflag:$0x2] =	stream.indirect_vreg.gather [hbm4b:s4+s8], $0x80, v3, vm0, $0xb8;
	[tilespmem:$0x18100] =	vst v63  }
0xf0: {  	_ =	swait.ge [sflag:s22], $0xC000  }
0xf1: {  	s23 =	simm.s32 $0x2;
	s24 =	simm.s32 $0x0;
	[sflag:s22] =	ssyncset.done $0x0  }
0xf2: {  	s25 =	simm.s32 $0x0;
	s0 =	smul.u32 $0x3000, s24;
	[sflag:s22] =	ssyncadd.s32 $0xFFFF4000  }
0xf3: {  	s3 =	simm.s32 $0x180;
	s1 =	sand.u32 $0x3FFFF800, s25;
	_ =	swait.ge [sflag:s23], $0x8000  }
0xf4: {  	s1 =	sadd.s32 $0xC100, s1;
	s5 =	sand.u32 $0x380, s3;
	[sflag:s23] =	ssyncset.done $0x0  }
0xf5: {  	s0 =	sshra.s32 s0, $0x2;
	s10 =	sadd.s32 s5, s1;
	[sflag:s23] =	ssyncadd.s32 $0xFFFF8000  }
0xf6: {  	s6 =	sadd.s32 $0x500, s0;
	v3 =	vld [tilespmem:s10+$0x0]  }
0xf7: {  	s3 =	sadd.s32 s5, s6;
	s14 =	sor.u32 $0x100, s0;
	v7 =	vld [tilespmem:s10+$0x400]  }
0xf8: {  	s26 =	simm.s32 $0x0;
	s12 =	sadd.s32 s5, s14;
	s19 =	sadd.s32 $0x900, s0;
	v4 =	vld [tilespmem:s3+$0x0]  }
0xf9: {  	s2 =	simm.s32 $0x80;
	s18 =	sand.u32 $0x200, s26;
	s17 =	sadd.s32 s5, s19;
	v5 =	vld [tilespmem:s12+$0x0]  }
0xfa: {  	s7 =	sor.u32 s18, s6;
	s4 =	simm.s32 $0x100;
	s21 =	sand.u32 $0x280, s2;
	v6 =	vld [tilespmem:s17+$0x0]  }
0xfb: {  	s16 =	sor.u32 s21, s6;
	s22 =	sand.u32 $0x300, s4;
	v10 =	vld [tilespmem:s7+$0x0]  }
0xfc: {  	s8 =	sadd.s32 s22, s6;
	v11 =	vld [tilespmem:s16+$0x0]  }
0xfd: {  	s9 =	sor.u32 s18, s1;
	v12 =	vld [tilespmem:s8+$0x0];
	v4 =	vmul.f32 v4, v7  }
0xfe: {  	s15 =	sor.u32 s21, s1;
	v9 =	vld [tilespmem:s9+$0x400]  }
0xff: {  	s5 =	sor.u32 s21, s14;
	v8 =	vld [tilespmem:s15+$0x400];
	v3 =	vmul.f32 v3, v6;
	v4 =	vadd.f32 v4, v5  }
0x100: {  	s6 =	sor.u32 s21, s19;
	v13 =	vld [tilespmem:s5+$0x0]  }
0x101: {  	s11 =	sor.u32 s18, s14;
	s4 =	sor.u32 s18, s19;
	s18 =	sadd.s32 s22, s14;
	v17 =	vld [tilespmem:s6+$0x0];
	v3 =	vadd.f32 v3, v4  }
0x102: {  	s20 =	simm.s32 $0x14200;
	s14 =	sadd.s32 s22, s19;
	v18 =	vld [tilespmem:s18+$0x0]  }
0x103: {  	v19 =	vld [tilespmem:s14+$0x0];
	[tilespmem:s20+$0x80] =	vst v3  }
0x104: {  	v3 =	vld [tilespmem:s12+$0x10]  }
0x105: {  	v14 =	vld [tilespmem:s3+$0x10]  }
0x106: {  	v15 =	vld [tilespmem:s17+$0x10]  }
0x107: {  	v16 =	vld [tilespmem:s10+$0x10]  }
0x108: {  	s13 =	sadd.s32 s22, s1;
	v20 =	vld [tilespmem:s9+$0x0]  }
0x109: {  	v6 =	vld [tilespmem:s13+$0x400]  }
0x10a: {  	v5 =	vld [tilespmem:s11+$0x0];
	v14 =	vmul.f32 v14, v7  }
0x10b: {  	v4 =	vld [tilespmem:s4+$0x0]  }
0x10c: {  	v21 =	vld [tilespmem:s15+$0x0];
	v3 =	vadd.f32 v14, v3;
	v14 =	vmul.f32 v16, v15  }
0x10d: {  	v15 =	vld [tilespmem:s13+$0x0]  }
0x10e: {  	v10 =	vmul.f32 v10, v9;
	v3 =	vadd.f32 v14, v3  }
0x10f: {  	v11 =	vmul.f32 v11, v8  }
0x110: {  	v12 =	vmul.f32 v12, v6;
	v5 =	vadd.f32 v10, v5;
	v4 =	vmul.f32 v20, v4;
	[tilespmem:s20+$0x90] =	vst v3  }
0x111: {  	v10 =	vmul.f32 v21, v17;
	v3 =	vadd.f32 v11, v13;
	v11 =	vld [tilespmem:s12+$0x20]  }
0x112: {  	v12 =	vadd.f32 v12, v18;
	v4 =	vadd.f32 v4, v5;
	v5 =	vmul.f32 v15, v19;
	v13 =	vld [tilespmem:s3+$0x20]  }
0x113: {  	v3 =	vadd.f32 v10, v3;
	v10 =	vld [tilespmem:s17+$0x20]  }
0x114: {  	[tilespmem:s20+$0xFFFFFF00] =	vst v4;
	v4 =	vadd.f32 v5, v12;
	v5 =	vld [tilespmem:s10+$0x20]  }
0x115: {  	v14 =	vld [tilespmem:s11+$0x10]  }
0x116: {  	v15 =	vld [tilespmem:s4+$0x10]  }
0x117: {  	v12 =	vld [tilespmem:s7+$0x10];
	[tilespmem:s20+$0xFFFFFF80] =	vst v3;
	v13 =	vmul.f32 v13, v7  }
0x118: {  	v3 =	vld [tilespmem:s16+$0x10]  }
0x119: {  	[tilespmem:s20+$0x0] =	vst v4;
	v32 =	vld [tilespmem:s15+$0x10];
	v11 =	vadd.f32 v13, v11;
	v5 =	vmul.f32 v5, v10  }
0x11a: {  	v4 =	vld [tilespmem:s8+$0x10]  }
0x11b: {  	v10 =	vld [tilespmem:s9+$0x10];
	v5 =	vadd.f32 v5, v11  }
0x11c: {  	v13 =	vld [tilespmem:s5+$0x10]  }
0x11d: {  	v11 =	vld [tilespmem:s6+$0x10];
	[tilespmem:s20+$0xA0] =	vst v5  }
0x11e: {  	v5 =	vmul.f32 v12, v9;
	v12 =	vld [tilespmem:s12+$0x30]  }
0x11f: {  	v33 =	vld [tilespmem:s3+$0x30]  }
0x120: {  	v3 =	vmul.f32 v3, v8;
	v10 =	vmul.f32 v10, v15;
	v15 =	vld [tilespmem:s10+$0x30];
	v5 =	vadd.f32 v5, v14  }
0x121: {  	v14 =	vld [tilespmem:s17+$0x30]  }
0x122: {  	v3 =	vadd.f32 v3, v13;
	v13 =	vld [tilespmem:s14+$0x10];
	v5 =	vadd.f32 v10, v5;
	v10 =	vmul.f32 v32, v11  }
0x123: {  	v11 =	vld [tilespmem:s18+$0x10]  }
0x124: {  	[tilespmem:s20+$0xFFFFFF10] =	vst v5;
	v3 =	vadd.f32 v10, v3;
	v5 =	vld [tilespmem:s13+$0x10];
	v10 =	vmul.f32 v33, v7  }
0x125: {  	v34 =	vld [tilespmem:s7+$0x20]  }
0x126: {  	v35 =	vld [tilespmem:s11+$0x20];
	[tilespmem:s20+$0xFFFFFF90] =	vst v3;
	v3 =	vadd.f32 v10, v12;
	v10 =	vmul.f32 v15, v14  }
0x127: {  	v4 =	vmul.f32 v4, v6;
	v14 =	vld [tilespmem:s4+$0x20]  }
0x128: {  	v12 =	vld [tilespmem:s16+$0x20];
	v3 =	vadd.f32 v10, v3  }
0x129: {  	v4 =	vadd.f32 v4, v11;
	v11 =	vld [tilespmem:s5+$0x20]  }
0x12a: {  	v10 =	vld [tilespmem:s9+$0x20];
	v5 =	vmul.f32 v5, v13;
	[tilespmem:s20+$0xB0] =	vst v3  }
0x12b: {  	v3 =	vld [tilespmem:s12+$0x40]  }
0x12c: {  	v4 =	vadd.f32 v5, v4;
	v5 =	vld [tilespmem:s3+$0x40]  }
0x12d: {  	v13 =	vld [tilespmem:s17+$0x40]  }
0x12e: {  	v15 =	vmul.f32 v34, v9;
	[tilespmem:s20+$0x10] =	vst v4;
	v4 =	vld [tilespmem:s10+$0x40]  }
0x12f: {  	v37 =	vld [tilespmem:s15+$0x20]  }
0x130: {  	v15 =	vadd.f32 v15, v35;
	v10 =	vmul.f32 v10, v14;
	v14 =	vld [tilespmem:s6+$0x20]  }
0x131: {  	v36 =	vld [tilespmem:s8+$0x20];
	v5 =	vmul.f32 v5, v7  }
0x132: {  	v38 =	vld [tilespmem:s14+$0x20];
	v10 =	vadd.f32 v10, v15  }
0x133: {  	v15 =	vld [tilespmem:s18+$0x20];
	v3 =	vadd.f32 v5, v3;
	v4 =	vmul.f32 v4, v13  }
0x134: {  	[tilespmem:s20+$0xFFFFFF20] =	vst v10;
	v5 =	vld [tilespmem:s13+$0x20]  }
0x135: {  	v10 =	vmul.f32 v12, v8;
	v12 =	vld [tilespmem:s7+$0x30];
	v3 =	vadd.f32 v4, v3  }
0x136: {  	v13 =	vmul.f32 v37, v14;
	v14 =	vld [tilespmem:s4+$0x30]  }
0x137: {  	v39 =	vld [tilespmem:s9+$0x30];
	v10 =	vadd.f32 v10, v11;
	[tilespmem:s20+$0xC0] =	vst v3  }
0x138: {  	v11 =	vmul.f32 v36, v6;
	v3 =	vld [tilespmem:s12+$0x50]  }
0x139: {  	v10 =	vadd.f32 v13, v10;
	v13 =	vld [tilespmem:s3+$0x50]  }
0x13a: {  	v11 =	vadd.f32 v11, v15;
	v15 =	vld [tilespmem:s17+$0x50]  }
0x13b: {  	v5 =	vmul.f32 v5, v38;
	[tilespmem:s20+$0xFFFFFFA0] =	vst v10;
	v10 =	vld [tilespmem:s10+$0x50]  }
0x13c: {  	v4 =	vld [tilespmem:s11+$0x30]  }
0x13d: {  	v40 =	vld [tilespmem:s5+$0x30];
	v5 =	vadd.f32 v5, v11  }
0x13e: {  	v41 =	vld [tilespmem:s6+$0x30];
	v13 =	vmul.f32 v13, v7  }
0x13f: {  	v11 =	vld [tilespmem:s16+$0x30];
	[tilespmem:s20+$0x20] =	vst v5  }
0x140: {  	v5 =	vld [tilespmem:s8+$0x30];
	v10 =	vmul.f32 v10, v15;
	v3 =	vadd.f32 v13, v3  }
0x141: {  	v12 =	vmul.f32 v12, v9;
	v13 =	vld [tilespmem:s15+$0x30]  }
0x142: {  	v15 =	vld [tilespmem:s18+$0x30];
	v3 =	vadd.f32 v10, v3  }
0x143: {  	v4 =	vadd.f32 v12, v4;
	v12 =	vmul.f32 v39, v14;
	v14 =	vld [tilespmem:s13+$0x30]  }
0x144: {  	v10 =	vld [tilespmem:s14+$0x30];
	[tilespmem:s20+$0xD0] =	vst v3  }
0x145: {  	v4 =	vadd.f32 v12, v4;
	v11 =	vmul.f32 v11, v8;
	v3 =	vld [tilespmem:s12+$0x60]  }
0x146: {  	v5 =	vmul.f32 v5, v6;
	v12 =	vmul.f32 v13, v41;
	v13 =	vld [tilespmem:s3+$0x60]  }
0x147: {  	[tilespmem:s20+$0xFFFFFF30] =	vst v4;
	v11 =	vadd.f32 v11, v40;
	v42 =	vld [tilespmem:s17+$0x60]  }
0x148: {  	v5 =	vadd.f32 v5, v15;
	v15 =	vld [tilespmem:s9+$0x40]  }
0x149: {  	v4 =	vadd.f32 v12, v11;
	v11 =	vld [tilespmem:s10+$0x60]  }
0x14a: {  	v12 =	vld [tilespmem:s7+$0x40]  }
0x14b: {  	v10 =	vmul.f32 v14, v10;
	v14 =	vld [tilespmem:s11+$0x40];
	[tilespmem:s20+$0xFFFFFFB0] =	vst v4  }
0x14c: {  	v4 =	vld [tilespmem:s16+$0x40]  }
0x14d: {  	v5 =	vadd.f32 v10, v5;
	v10 =	vmul.f32 v13, v7;
	v13 =	vld [tilespmem:s4+$0x40]  }
0x14e: {  	v44 =	vld [tilespmem:s5+$0x40]  }
0x14f: {  	v45 =	vld [tilespmem:s15+$0x40];
	[tilespmem:s20+$0x30] =	vst v5;
	v3 =	vadd.f32 v10, v3;
	v5 =	vmul.f32 v11, v42  }
0x150: {  	v43 =	vld [tilespmem:s8+$0x40]  }
0x151: {  	v11 =	vmul.f32 v12, v9;
	v3 =	vadd.f32 v5, v3;
	v5 =	vld [tilespmem:s6+$0x40]  }
0x152: {  	v13 =	vmul.f32 v15, v13;
	v15 =	vld [tilespmem:s14+$0x40]  }
0x153: {  	[tilespmem:s20+$0xE0] =	vst v3;
	v3 =	vadd.f32 v11, v14;
	v14 =	vld [tilespmem:s18+$0x40]  }
0x154: {  	v10 =	vld [tilespmem:s12+$0x70]  }
0x155: {  	v12 =	vld [tilespmem:s3+$0x70]  }
0x156: {  	v11 =	vld [tilespmem:s17+$0x70];
	v3 =	vadd.f32 v13, v3  }
0x157: {  	v4 =	vmul.f32 v4, v8;
	v13 =	vld [tilespmem:s10+$0x70]  }
0x158: {  	s24 =	simm.s32 $0x0;
	[tilespmem:s20+$0xFFFFFF40] =	vst v3;
	v3 =	vld [tilespmem:s13+$0x40]  }
0x159: {  	s25 =	simm.s32 $0x400;
	v4 =	vadd.f32 v4, v44;
	s3 =	smul.u32 $0x3000, s24;
	v5 =	vmul.f32 v45, v5;
	v46 =	vld [tilespmem:s7+$0x50]  }
0x15a: {  	s21 =	simm.s32 $0x380;
	s10 =	sand.u32 $0x3FFFF800, s25;
	v47 =	vld [tilespmem:s11+$0x50]  }
0x15b: {  	s26 =	sand.u32 $0x380, s21;
	s12 =	sadd.s32 $0xC100, s10;
	s3 =	sshra.s32 s3, $0x2;
	v4 =	vadd.f32 v5, v4;
	v5 =	vld [tilespmem:s4+$0x50]  }
0x15c: {  	s17 =	sadd.s32 s26, s12;
	s23 =	sadd.s32 $0x500, s3;
	v48 =	vld [tilespmem:s9+$0x50]  }
0x15d: {  	s24 =	simm.s32 $0x280;
	s29 =	sor.u32 $0x100, s3;
	v55 =	vld [tilespmem:s17+$0x0];
	s10 =	sadd.s32 s26, s23  }
0x15e: {  	v16 =	vmul.f32 v43, v6;
	s28 =	sand.u32 $0x280, s24;
	s2 =	sadd.s32 s26, s29;
	v56 =	vld [tilespmem:s10+$0x0]  }
0x15f: {  	s31 =	sor.u32 s28, s23;
	v23 =	vld [tilespmem:s2+$0x0]  }
0x160: {  	v28 =	vld [tilespmem:s31+$0x0];
	[tilespmem:s20+$0xFFFFFFC0] =	vst v4;
	v4 =	vadd.f32 v16, v14;
	v3 =	vmul.f32 v3, v15  }
0x161: {  	v14 =	vld [tilespmem:s16+$0x50]  }
0x162: {  	v49 =	vld [tilespmem:s5+$0x50];
	v3 =	vadd.f32 v3, v4  }
0x163: {  	v50 =	vld [tilespmem:s15+$0x50];
	v15 =	vmul.f32 v46, v9  }
0x164: {  	v4 =	vld [tilespmem:s6+$0x50];
	[tilespmem:s20+$0x40] =	vst v3  }
0x165: {  	v15 =	vadd.f32 v15, v47;
	v3 =	vmul.f32 v48, v5;
	v5 =	vld [tilespmem:s8+$0x50]  }
0x166: {  	v51 =	vld [tilespmem:s18+$0x50]  }
0x167: {  	v14 =	vmul.f32 v14, v8;
	v52 =	vld [tilespmem:s13+$0x50];
	v3 =	vadd.f32 v3, v15  }
0x168: {  	v15 =	vld [tilespmem:s14+$0x50]  }
0x169: {  	v16 =	vadd.f32 v14, v49;
	v14 =	vld [tilespmem:s17+$0x400];
	[tilespmem:s20+$0xFFFFFF50] =	vst v3  }
0x16a: {  	v4 =	vmul.f32 v50, v4;
	v3 =	vld [tilespmem:s7+$0x60]  }
0x16b: {  	v53 =	vld [tilespmem:s11+$0x60]  }
0x16c: {  	s30 =	sadd.s32 $0x900, s3;
	v54 =	vld [tilespmem:s4+$0x60];
	v4 =	vadd.f32 v4, v16;
	v5 =	vmul.f32 v5, v6  }
0x16d: {  	s19 =	sadd.s32 s26, s30;
	v22 =	vld [tilespmem:s9+$0x60]  }
0x16e: {  	[tilespmem:s20+$0xFFFFFFD0] =	vst v4;
	v4 =	vadd.f32 v5, v51;
	v5 =	vmul.f32 v52, v15;
	v15 =	vld [tilespmem:s19+$0x0]  }
0x16f: {  	v57 =	vld [tilespmem:s16+$0x60]  }
0x170: {  	v58 =	vld [tilespmem:s5+$0x60];
	v3 =	vmul.f32 v3, v9;
	v4 =	vadd.f32 v5, v4  }
0x171: {  	v24 =	vld [tilespmem:s6+$0x60]  }
0x172: {  	v59 =	vld [tilespmem:s15+$0x60];
	v3 =	vadd.f32 v3, v53;
	[tilespmem:s20+$0x50] =	vst v4;
	v4 =	vmul.f32 v22, v54  }
0x173: {  	v5 =	vmul.f32 v56, v14;
	v60 =	vld [tilespmem:s8+$0x60]  }
0x174: {  	v61 =	vld [tilespmem:s18+$0x60];
	v3 =	vadd.f32 v4, v3  }
0x175: {  	v5 =	vadd.f32 v5, v23;
	v15 =	vmul.f32 v55, v15;
	v62 =	vld [tilespmem:s14+$0x60]  }
0x176: {  	v25 =	vld [tilespmem:s13+$0x60];
	[tilespmem:s20+$0xFFFFFF60] =	vst v3  }
0x177: {  	v4 =	vadd.f32 v15, v5;
	v15 =	vld [tilespmem:s7+$0x70]  }
0x178: {  	v16 =	vld [tilespmem:s11+$0x70]  }
0x179: {  	s22 =	simm.s32 $0x14400;
	v17 =	vld [tilespmem:s4+$0x70]  }
0x17a: {  	[tilespmem:s22+$0x80] =	vst v4;
	v20 =	vld [tilespmem:s9+$0x70]  }
0x17b: {  	v3 =	vld [tilespmem:s2+$0x10]  }
0x17c: {  	v4 =	vld [tilespmem:s10+$0x10]  }
0x17d: {  	s25 =	simm.s32 $0x300;
	v5 =	vld [tilespmem:s19+$0x10]  }
0x17e: {  	s7 =	simm.s32 $0x200;
	s4 =	sand.u32 $0x300, s25;
	s25 =	sor.u32 s28, s12;
	v26 =	vld [tilespmem:s17+$0x10]  }
0x17f: {  	s26 =	sand.u32 $0x200, s7;
	s24 =	sadd.s32 s4, s12;
	v41 =	vld [tilespmem:s25+$0x0]  }
0x180: {  	s1 =	sor.u32 s26, s23;
	v42 =	vld [tilespmem:s24+$0x0]  }
0x181: {  	s23 =	sadd.s32 s4, s23;
	v27 =	vld [tilespmem:s1+$0x0]  }
0x182: {  	s11 =	sor.u32 s26, s29;
	v29 =	vld [tilespmem:s23+$0x0]  }
0x183: {  	s0 =	sor.u32 s26, s12;
	s12 =	sor.u32 s26, s30;
	v30 =	vld [tilespmem:s11+$0x0]  }
0x184: {  	s26 =	sor.u32 s28, s29;
	v34 =	vld [tilespmem:s12+$0x0]  }
0x185: {  	s28 =	sor.u32 s28, s30;
	v35 =	vld [tilespmem:s26+$0x0];
	v4 =	vmul.f32 v4, v14  }
0x186: {  	v36 =	vld [tilespmem:s28+$0x0]  }
0x187: {  	s29 =	sadd.s32 s4, s29;
	v26 =	vmul.f32 v26, v5;
	v5 =	vld [tilespmem:s0+$0x400];
	v3 =	vadd.f32 v4, v3  }
0x188: {  	v37 =	vld [tilespmem:s29+$0x0]  }
0x189: {  	v18 =	vmul.f32 v57, v8;
	s30 =	sadd.s32 s4, s30;
	v40 =	vld [tilespmem:s0+$0x0];
	v26 =	vadd.f32 v26, v3  }
0x18a: {  	v38 =	vld [tilespmem:s30+$0x0]  }
0x18b: {  	v63 =	vmul.f32 v59, v24;
	v18 =	vadd.f32 v18, v58;
	v21 =	vmul.f32 v60, v6;
	v4 =	vld [tilespmem:s25+$0x400];
	[tilespmem:s22+$0x90] =	vst v26  }
0x18c: {  	v27 =	vmul.f32 v27, v5;
	v26 =	vld [tilespmem:s2+$0x20]  }
0x18d: {  	v18 =	vadd.f32 v63, v18;
	v43 =	vmul.f32 v25, v62;
	v21 =	vadd.f32 v21, v61;
	v31 =	vld [tilespmem:s10+$0x20]  }
0x18e: {  	v19 =	vmul.f32 v40, v34;
	v32 =	vld [tilespmem:s19+$0x20];
	v27 =	vadd.f32 v27, v30  }
0x18f: {  	[tilespmem:s20+$0xFFFFFFE0] =	vst v18;
	v21 =	vadd.f32 v43, v21;
	v33 =	vld [tilespmem:s17+$0x20]  }
0x190: {  	v18 =	vld [tilespmem:s16+$0x70];
	v44 =	vmul.f32 v28, v4;
	v27 =	vadd.f32 v19, v27  }
0x191: {  	[tilespmem:s20+$0x60] =	vst v21;
	v3 =	vld [tilespmem:s24+$0x400]  }
0x192: {  	v49 =	vmul.f32 v41, v36;
	v48 =	vadd.f32 v44, v35;
	v19 =	vld [tilespmem:s8+$0x70];
	[tilespmem:s22+$0xFFFFFF00] =	vst v27;
	v31 =	vmul.f32 v31, v14  }
0x193: {  	v54 =	vld [tilespmem:s1+$0x10]  }
0x194: {  	v52 =	vadd.f32 v49, v48;
	v39 =	vmul.f32 v33, v32;
	v58 =	vld [tilespmem:s11+$0x10];
	v26 =	vadd.f32 v31, v26  }
0x195: {  	v27 =	vld [tilespmem:s12+$0x10]  }
0x196: {  	v59 =	vld [tilespmem:s0+$0x10];
	[tilespmem:s22+$0xFFFFFF80] =	vst v52;
	v26 =	vadd.f32 v39, v26  }
0x197: {  	v56 =	vld [tilespmem:s31+$0x10]  }
0x198: {  	v46 =	vmul.f32 v29, v3;
	v60 =	vld [tilespmem:s26+$0x10];
	[tilespmem:s22+$0xA0] =	vst v26  }
0x199: {  	v45 =	vld [tilespmem:s2+$0x30]  }
0x19a: {  	v24 =	vmul.f32 v42, v38;
	v26 =	vadd.f32 v46, v37;
	v47 =	vld [tilespmem:s10+$0x30]  }
0x19b: {  	v50 =	vld [tilespmem:s19+$0x30]  }
0x19c: {  	v23 =	vmul.f32 v54, v5;
	v51 =	vld [tilespmem:s17+$0x30];
	v53 =	vadd.f32 v24, v26  }
0x19d: {  	v36 =	vld [tilespmem:s28+$0x10]  }
0x19e: {  	v25 =	vmul.f32 v59, v27;
	v37 =	vld [tilespmem:s25+$0x10];
	v23 =	vadd.f32 v23, v58;
	[tilespmem:s22+$0x0] =	vst v53  }
0x19f: {  	v22 =	vld [tilespmem:s23+$0x10];
	v55 =	vmul.f32 v47, v14  }
0x1a0: {  	v23 =	vadd.f32 v25, v23;
	v38 =	vld [tilespmem:s29+$0x10]  }
0x1a1: {  	v40 =	vld [tilespmem:s30+$0x10];
	v57 =	vmul.f32 v51, v50;
	v21 =	vadd.f32 v55, v45  }
0x1a2: {  	[tilespmem:s22+$0xFFFFFF10] =	vst v23;
	v41 =	vld [tilespmem:s24+$0x10]  }
0x1a3: {  	v43 =	vld [tilespmem:s1+$0x20];
	v21 =	vadd.f32 v57, v21  }
0x1a4: {  	v24 =	vmul.f32 v56, v4;
	v44 =	vld [tilespmem:s11+$0x20]  }
0x1a5: {  	v46 =	vld [tilespmem:s0+$0x20];
	[tilespmem:s22+$0xB0] =	vst v21  }
0x1a6: {  	v24 =	vadd.f32 v24, v60;
	v26 =	vmul.f32 v37, v36;
	v21 =	vld [tilespmem:s2+$0x40]  }
0x1a7: {  	v61 =	vld [tilespmem:s10+$0x40]  }
0x1a8: {  	v24 =	vadd.f32 v26, v24;
	v22 =	vmul.f32 v22, v3;
	v62 =	vld [tilespmem:s19+$0x40]  }
0x1a9: {  	v63 =	vld [tilespmem:s17+$0x40]  }
0x1aa: {  	v45 =	vld [tilespmem:s12+$0x20];
	[tilespmem:s22+$0xFFFFFF90] =	vst v24;
	v23 =	vmul.f32 v41, v40;
	v22 =	vadd.f32 v22, v38  }
0x1ab: {  	v24 =	vld [tilespmem:s31+$0x20]  }
0x1ac: {  	v51 =	vld [tilespmem:s26+$0x20];
	v22 =	vadd.f32 v23, v22;
	v39 =	vmul.f32 v61, v14  }
0x1ad: {  	v52 =	vld [tilespmem:s28+$0x20]  }
0x1ae: {  	v53 =	vld [tilespmem:s25+$0x20];
	[tilespmem:s22+$0x10] =	vst v22;
	v42 =	vmul.f32 v63, v62;
	v21 =	vadd.f32 v39, v21  }
0x1af: {  	v22 =	vld [tilespmem:s23+$0x20]  }
0x1b0: {  	v50 =	vmul.f32 v43, v5;
	v55 =	vld [tilespmem:s29+$0x20];
	v21 =	vadd.f32 v42, v21  }
0x1b1: {  	v56 =	vld [tilespmem:s30+$0x20]  }
0x1b2: {  	v29 =	vadd.f32 v50, v44;
	v27 =	vmul.f32 v46, v45;
	v57 =	vld [tilespmem:s24+$0x20];
	[tilespmem:s22+$0xC0] =	vst v21  }
0x1b3: {  	v24 =	vmul.f32 v24, v4;
	v21 =	vld [tilespmem:s2+$0x50]  }
0x1b4: {  	v54 =	vadd.f32 v27, v29;
	v47 =	vld [tilespmem:s10+$0x50]  }
0x1b5: {  	v28 =	vmul.f32 v53, v52;
	v24 =	vadd.f32 v24, v51;
	v48 =	vld [tilespmem:s19+$0x50]  }
0x1b6: {  	[tilespmem:s22+$0xFFFFFF20] =	vst v54;
	v49 =	vld [tilespmem:s17+$0x50]  }
0x1b7: {  	v61 =	vld [tilespmem:s11+$0x30];
	v24 =	vadd.f32 v28, v24  }
0x1b8: {  	v62 =	vld [tilespmem:s12+$0x30]  }
0x1b9: {  	v63 =	vld [tilespmem:s0+$0x30];
	[tilespmem:s22+$0xFFFFFFA0] =	vst v24;
	v25 =	vmul.f32 v47, v14  }
0x1ba: {  	v24 =	vld [tilespmem:s31+$0x30]  }
0x1bb: {  	v22 =	vmul.f32 v22, v3;
	v36 =	vld [tilespmem:s26+$0x30];
	v23 =	vmul.f32 v49, v48;
	v21 =	vadd.f32 v25, v21  }
0x1bc: {  	v37 =	vld [tilespmem:s28+$0x30]  }
0x1bd: {  	v38 =	vld [tilespmem:s25+$0x30];
	v22 =	vadd.f32 v22, v55;
	v21 =	vadd.f32 v23, v21;
	v23 =	vmul.f32 v57, v56  }
0x1be: {  	v25 =	vld [tilespmem:s1+$0x30]  }
0x1bf: {  	[tilespmem:s22+$0xD0] =	vst v21;
	v22 =	vadd.f32 v23, v22;
	v23 =	vld [tilespmem:s6+$0x70]  }
0x1c0: {  	v21 =	vld [tilespmem:s2+$0x60]  }
0x1c1: {  	v58 =	vld [tilespmem:s10+$0x60]  }
0x1c2: {  	v39 =	vmul.f32 v24, v4;
	v59 =	vld [tilespmem:s19+$0x60]  }
0x1c3: {  	v60 =	vld [tilespmem:s17+$0x60];
	[tilespmem:s22+$0x20] =	vst v22  }
0x1c4: {  	v43 =	vmul.f32 v38, v37;
	v22 =	vadd.f32 v39, v36;
	v41 =	vld [tilespmem:s23+$0x30]  }
0x1c5: {  	v42 =	vld [tilespmem:s29+$0x30]  }
0x1c6: {  	v25 =	vmul.f32 v25, v5;
	v44 =	vld [tilespmem:s30+$0x30];
	v22 =	vadd.f32 v43, v22  }
0x1c7: {  	v45 =	vld [tilespmem:s24+$0x30]  }
0x1c8: {  	v40 =	vmul.f32 v63, v62;
	v25 =	vadd.f32 v25, v61;
	v43 =	vld [tilespmem:s15+$0x70];
	[tilespmem:s22+$0xFFFFFFB0] =	vst v22  }
0x1c9: {  	v22 =	vld [tilespmem:s31+$0x40]  }
0x1ca: {  	v24 =	vadd.f32 v40, v25;
	v29 =	vmul.f32 v58, v14;
	v49 =	vld [tilespmem:s26+$0x40]  }
0x1cb: {  	v50 =	vld [tilespmem:s28+$0x40]  }
0x1cc: {  	[tilespmem:s22+$0xFFFFFF30] =	vst v24;
	v51 =	vld [tilespmem:s25+$0x40];
	v21 =	vadd.f32 v29, v21;
	v29 =	vmul.f32 v41, v3  }
0x1cd: {  	v24 =	vld [tilespmem:s1+$0x40]  }
0x1ce: {  	v46 =	vld [tilespmem:s11+$0x40];
	v26 =	vmul.f32 v45, v44;
	v29 =	vadd.f32 v29, v42  }
0x1cf: {  	v28 =	vmul.f32 v60, v59;
	v47 =	vld [tilespmem:s12+$0x40]  }
0x1d0: {  	v48 =	vld [tilespmem:s0+$0x40];
	v26 =	vadd.f32 v26, v29;
	v22 =	vmul.f32 v22, v4  }
0x1d1: {  	v21 =	vadd.f32 v28, v21;
	v28 =	vld [tilespmem:s5+$0x70]  }
0x1d2: {  	v53 =	vmul.f32 v51, v50;
	v50 =	vld [tilespmem:s18+$0x70];
	[tilespmem:s22+$0x30] =	vst v26;
	v22 =	vadd.f32 v22, v49  }
0x1d3: {  	v26 =	vld [tilespmem:s23+$0x40]  }
0x1d4: {  	v24 =	vmul.f32 v24, v5;
	v54 =	vld [tilespmem:s29+$0x40];
	v22 =	vadd.f32 v53, v22  }
0x1d5: {  	v55 =	vld [tilespmem:s30+$0x40]  }
0x1d6: {  	v52 =	vmul.f32 v48, v47;
	v24 =	vadd.f32 v24, v46;
	v56 =	vld [tilespmem:s24+$0x40];
	[tilespmem:s22+$0xFFFFFFC0] =	vst v22  }
0x1d7: {  	v60 =	vld [tilespmem:s31+$0x50]  }
0x1d8: {  	v24 =	vadd.f32 v52, v24;
	v63 =	vld [tilespmem:s26+$0x50]  }
0x1d9: {  	v40 =	vld [tilespmem:s28+$0x50]  }
0x1da: {  	[tilespmem:s22+$0xFFFFFF40] =	vst v24;
	v42 =	vld [tilespmem:s25+$0x50]  }
0x1db: {  	v57 =	vld [tilespmem:s1+$0x50];
	v59 =	vmul.f32 v26, v3  }
0x1dc: {  	v58 =	vld [tilespmem:s11+$0x50]  }
0x1dd: {  	v61 =	vld [tilespmem:s12+$0x50];
	v24 =	vmul.f32 v56, v55;
	v22 =	vadd.f32 v59, v54  }
0x1de: {  	[tilespmem:s22+$0xE0] =	vst v21;
	v62 =	vld [tilespmem:s0+$0x50]  }
0x1df: {  	v21 =	vld [tilespmem:s2+$0x70];
	v22 =	vadd.f32 v24, v22  }
0x1e0: {  	v34 =	vld [tilespmem:s10+$0x70];
	v26 =	vmul.f32 v60, v4  }
0x1e1: {  	v29 =	vld [tilespmem:s19+$0x70];
	v41 =	vmul.f32 v57, v5;
	[tilespmem:s22+$0x40] =	vst v22  }
0x1e2: {  	v25 =	vmul.f32 v42, v40;
	v26 =	vadd.f32 v26, v63;
	v46 =	vld [tilespmem:s23+$0x50]  }
0x1e3: {  	v45 =	vmul.f32 v62, v61;
	v44 =	vadd.f32 v41, v58;
	v47 =	vld [tilespmem:s29+$0x50]  }
0x1e4: {  	v48 =	vld [tilespmem:s30+$0x50];
	v51 =	vadd.f32 v25, v26  }
0x1e5: {  	v49 =	vld [tilespmem:s24+$0x50];
	v22 =	vadd.f32 v45, v44  }
0x1e6: {  	v35 =	vld [tilespmem:s17+$0x70];
	[tilespmem:s22+$0xFFFFFFD0] =	vst v51  }
0x1e7: {  	[tilespmem:s22+$0xFFFFFF50] =	vst v22;
	v55 =	vld [tilespmem:s31+$0x60]  }
0x1e8: {  	v7 =	vmul.f32 v12, v7;
	v12 =	vld [tilespmem:s1+$0x60];
	v52 =	vmul.f32 v46, v3  }
0x1e9: {  	v11 =	vmul.f32 v13, v11;
	v53 =	vld [tilespmem:s11+$0x60]  }
0x1ea: {  	v7 =	vadd.f32 v7, v10;
	v10 =	vld [tilespmem:s12+$0x60];
	v54 =	vmul.f32 v49, v48;
	v13 =	vadd.f32 v52, v47  }
0x1eb: {  	v9 =	vmul.f32 v15, v9;
	v15 =	vld [tilespmem:s0+$0x60]  }
0x1ec: {  	v7 =	vadd.f32 v11, v7;
	v11 =	vmul.f32 v34, v14;
	v14 =	vld [tilespmem:s26+$0x60];
	v13 =	vadd.f32 v54, v13  }
0x1ed: {  	v9 =	vadd.f32 v9, v16;
	v8 =	vmul.f32 v18, v8;
	v56 =	vmul.f32 v20, v17;
	v57 =	vld [tilespmem:s28+$0x60]  }
0x1ee: {  	v11 =	vadd.f32 v11, v21;
	v58 =	vmul.f32 v35, v29;
	v12 =	vmul.f32 v12, v5;
	[tilespmem:s22+$0x50] =	vst v13;
	v13 =	vld [tilespmem:s25+$0x60]  }
0x1ef: {  	v9 =	vadd.f32 v56, v9;
	v59 =	vadd.f32 v8, v28;
	v60 =	vmul.f32 v43, v23;
	v61 =	vld [tilespmem:s23+$0x60]  }
0x1f0: {  	[tilespmem:s20+$0xF0] =	vst v7;
	v7 =	vadd.f32 v58, v11;
	v11 =	vadd.f32 v12, v53;
	v12 =	vmul.f32 v15, v10;
	v10 =	vld [tilespmem:s29+$0x60]  }
0x1f1: {  	[tilespmem:s20+$0xFFFFFF70] =	vst v9;
	v62 =	vmul.f32 v55, v4;
	v15 =	vadd.f32 v60, v59;
	v9 =	vld [tilespmem:s30+$0x60]  }
0x1f2: {  	v6 =	vmul.f32 v19, v6;
	[tilespmem:s22+$0xF0] =	vst v7;
	v63 =	vadd.f32 v12, v11;
	v11 =	vld [tilespmem:s24+$0x60]  }
0x1f3: {  	v8 =	vld [tilespmem:s14+$0x70];
	[tilespmem:s20+$0xFFFFFFF0] =	vst v15;
	v12 =	vadd.f32 v62, v14;
	v13 =	vmul.f32 v13, v57  }
0x1f4: {  	v7 =	vadd.f32 v6, v50;
	v6 =	vld [tilespmem:s13+$0x70];
	s13 =	simm.s32 $0x4;
	[tilespmem:s22+$0xFFFFFF60] =	vst v63;
	v14 =	vmul.f32 v61, v3  }
.LBB2_2:
0x1f5: {  	s13 =	sadd.s32 $0x4, s13;
	v15 =	vld [tilespmem:s1+$0x70];
	v12 =	vadd.f32 v13, v12  }
0x1f6: {  	s1 =	sshrl.u32 s13, $0x3;
	s3 =	sshll.u32 s13, $0x8;
	p0 =	slt.u32 s13, $0x7C;
	v13 =	vld [tilespmem:s11+$0x70];
	v10 =	vadd.f32 v14, v10  }
0x1f7: {  	s21 =	sadd.s32 $0x200, s21;
	s3 =	sand.u32 $0x3FFFF800, s3;
	s1 =	smul.u32 $0x3000, s1;
	v14 =	vld [tilespmem:s12+$0x70];
	[tilespmem:s22+$0xFFFFFFE0] =	vst v12;
	v9 =	vmul.f32 v11, v9  }
0x1f8: {  	s4 =	sadd.s32 $0xFFFFFE80, s21;
	s5 =	sadd.s32 $0xC100, s3;
	s3 =	sand.u32 $0x380, s21;
	v11 =	vld [tilespmem:s31+$0x70]  }
0x1f9: {  	s6 =	sadd.s32 $0xFFFFFF00, s21;
	s1 =	sshra.s32 s1, $0x2;
	s14 =	sadd.s32 s3, s5;
	v12 =	vld [tilespmem:s0+$0x70];
	v9 =	vadd.f32 v9, v10;
	v8 =	vmul.f32 v6, v8  }
0x1fa: {  	s4 =	sand.u32 $0x200, s4;
	s0 =	sadd.s32 $0xFFFFFF80, s21;
	s8 =	sadd.s32 $0x500, s1;
	v10 =	vld [tilespmem:s14+$0x0];
	v5 =	vmul.f32 v15, v5  }
0x1fb: {  	s6 =	sand.u32 $0x280, s6;
	s19 =	sor.u32 $0x100, s1;
	v6 =	vld [tilespmem:s14+$0x400];
	s15 =	sadd.s32 s3, s8;
	[tilespmem:s22+$0x60] =	vst v9;
	v7 =	vadd.f32 v8, v7  }
0x1fc: {  	s7 =	sadd.s32 $0x900, s1;
	s2 =	sand.u32 $0x300, s0;
	s16 =	sadd.s32 s3, s19;
	v8 =	vld [tilespmem:s15+$0x0];
	v5 =	vadd.f32 v5, v13  }
0x1fd: {  	s1 =	sor.u32 s4, s8;
	s31 =	sor.u32 s6, s8;
	s18 =	sadd.s32 s3, s7;
	v9 =	vld [tilespmem:s16+$0x0];
	v11 =	vmul.f32 v11, v4;
	[tilespmem:s20+$0x70] =	vst v7  }
0x1fe: {  	s9 =	sor.u32 s6, s5;
	s0 =	sor.u32 s4, s5;
	s3 =	sadd.s32 s2, s8;
	v7 =	vld [tilespmem:s18+$0x0];
	v4 =	vmul.f32 v12, v14  }
0x1ff: {  	s11 =	sor.u32 s4, s19;
	s12 =	sor.u32 s4, s7;
	s5 =	sadd.s32 s2, s5;
	v12 =	vld [tilespmem:s1+$0x0]  }
0x200: {  	s17 =	sor.u32 s6, s19;
	s10 =	sor.u32 s6, s7;
	s8 =	sadd.s32 s2, s19;
	v13 =	vld [tilespmem:s31+$0x0];
	v4 =	vadd.f32 v4, v5  }
0x201: {  	s6 =	sadd.s32 s2, s7;
	s20 =	smov.u32 s22;
	v14 =	vld [tilespmem:s3+$0x0];
	v8 =	vmul.f32 v8, v6  }
0x202: {  	v5 =	vld [tilespmem:s0+$0x400];
	[tilespmem:s22+$0xFFFFFF70] =	vst v4  }
0x203: {  	v4 =	vld [tilespmem:s9+$0x400];
	v8 =	vadd.f32 v8, v9;
	v7 =	vmul.f32 v10, v7  }
0x204: {  	v9 =	vld [tilespmem:s5+$0x400]  }
0x205: {  	v10 =	vld [tilespmem:s11+$0x0];
	v7 =	vadd.f32 v7, v8  }
0x206: {  	s22 =	sadd.s32 $0x200, s22;
	v8 =	vld [tilespmem:s12+$0x0]  }
0x207: {  	v12 =	vmul.f32 v12, v5;
	v15 =	vld [tilespmem:s17+$0x0];
	[tilespmem:s22+$0x80] =	vst v7  }
0x208: {  	v7 =	vmul.f32 v13, v4;
	v13 =	vld [tilespmem:s16+$0x10]  }
0x209: {  	v14 =	vmul.f32 v14, v9;
	v16 =	vld [tilespmem:s15+$0x10]  }
0x20a: {  	v10 =	vadd.f32 v12, v10;
	v12 =	vld [tilespmem:s18+$0x10]  }
0x20b: {  	v17 =	vld [tilespmem:s14+$0x10]  }
0x20c: {  	v18 =	vld [tilespmem:s10+$0x0];
	v7 =	vadd.f32 v7, v15  }
0x20d: {  	v15 =	vld [tilespmem:s8+$0x0]  }
0x20e: {  	v19 =	vld [tilespmem:s6+$0x0];
	v16 =	vmul.f32 v16, v6  }
0x20f: {  	v20 =	vld [tilespmem:s0+$0x0]  }
0x210: {  	v21 =	vld [tilespmem:s9+$0x0];
	v13 =	vadd.f32 v16, v13;
	v12 =	vmul.f32 v17, v12  }
0x211: {  	v16 =	vld [tilespmem:s5+$0x0]  }
0x212: {  	v14 =	vadd.f32 v14, v15;
	v12 =	vadd.f32 v12, v13;
	v13 =	vld [tilespmem:s23+$0x70];
	s23 =	smov.u32 s3  }
0x213: {  	v15 =	vld [tilespmem:s26+$0x70];
	s26 =	smov.u32 s17  }
0x214: {  	v17 =	vmul.f32 v20, v8;
	[tilespmem:s22+$0x90] =	vst v12;
	v8 =	vld [tilespmem:s28+$0x70];
	s28 =	smov.u32 s10  }
0x215: {  	v12 =	vmul.f32 v21, v18;
	v18 =	vld [tilespmem:s16+$0x20]  }
0x216: {  	v10 =	vadd.f32 v17, v10;
	v16 =	vmul.f32 v16, v19;
	v17 =	vld [tilespmem:s15+$0x20]  }
0x217: {  	v12 =	vadd.f32 v12, v7;
	v19 =	vld [tilespmem:s18+$0x20];
	v7 =	vmul.f32 v13, v3;
	v3 =	vmov v9  }
0x218: {  	[tilespmem:s22+$0xFFFFFF00] =	vst v10;
	v10 =	vadd.f32 v16, v14;
	v13 =	vld [tilespmem:s14+$0x20];
	v9 =	vadd.f32 v11, v15  }
0x219: {  	v11 =	vld [tilespmem:s1+$0x10];
	[tilespmem:s22+$0xFFFFFF80] =	vst v12  }
0x21a: {  	v12 =	vld [tilespmem:s31+$0x10];
	[tilespmem:s22+$0x0] =	vst v10  }
0x21b: {  	v10 =	vld [tilespmem:s23+$0x10];
	v14 =	vmul.f32 v17, v6  }
0x21c: {  	v15 =	vld [tilespmem:s11+$0x10]  }
0x21d: {  	v16 =	vld [tilespmem:s12+$0x10];
	v14 =	vadd.f32 v14, v18;
	v13 =	vmul.f32 v13, v19  }
0x21e: {  	v17 =	vld [tilespmem:s0+$0x10];
	v11 =	vmul.f32 v11, v5  }
0x21f: {  	v18 =	vld [tilespmem:s26+$0x10];
	v12 =	vmul.f32 v12, v4;
	v13 =	vadd.f32 v13, v14  }
0x220: {  	v14 =	vld [tilespmem:s28+$0x10];
	v10 =	vmul.f32 v10, v3  }
0x221: {  	v11 =	vadd.f32 v11, v15;
	v15 =	vld [tilespmem:s9+$0x10];
	[tilespmem:s22+$0xA0] =	vst v13  }
0x222: {  	v13 =	vld [tilespmem:s16+$0x30]  }
0x223: {  	v16 =	vmul.f32 v17, v16;
	v17 =	vld [tilespmem:s15+$0x30]  }
0x224: {  	v12 =	vadd.f32 v12, v18;
	v18 =	vld [tilespmem:s18+$0x30]  }
0x225: {  	v11 =	vadd.f32 v16, v11;
	v16 =	vld [tilespmem:s14+$0x30]  }
0x226: {  	v14 =	vmul.f32 v15, v14;
	v15 =	vld [tilespmem:s8+$0x10]  }
0x227: {  	[tilespmem:s22+$0xFFFFFF10] =	vst v11;
	v11 =	vld [tilespmem:s6+$0x10]  }
0x228: {  	v12 =	vadd.f32 v14, v12;
	v14 =	vld [tilespmem:s5+$0x10];
	v17 =	vmul.f32 v17, v6  }
0x229: {  	v19 =	vld [tilespmem:s1+$0x20]  }
0x22a: {  	v20 =	vld [tilespmem:s11+$0x20];
	[tilespmem:s22+$0xFFFFFF90] =	vst v12;
	v12 =	vadd.f32 v17, v13;
	v13 =	vmul.f32 v16, v18  }
0x22b: {  	v16 =	vld [tilespmem:s31+$0x20];
	v10 =	vadd.f32 v10, v15  }
0x22c: {  	v15 =	vld [tilespmem:s12+$0x20];
	v12 =	vadd.f32 v13, v12  }
0x22d: {  	v13 =	vld [tilespmem:s0+$0x20];
	v11 =	vmul.f32 v14, v11  }
0x22e: {  	v14 =	vmul.f32 v19, v5;
	v17 =	vld [tilespmem:s26+$0x20];
	[tilespmem:s22+$0xB0] =	vst v12  }
0x22f: {  	v10 =	vadd.f32 v11, v10;
	v11 =	vld [tilespmem:s16+$0x40]  }
0x230: {  	v12 =	vadd.f32 v14, v20;
	v14 =	vmul.f32 v16, v4;
	v16 =	vld [tilespmem:s15+$0x40]  }
0x231: {  	[tilespmem:s22+$0x10] =	vst v10;
	v10 =	vld [tilespmem:s18+$0x40]  }
0x232: {  	v13 =	vmul.f32 v13, v15;
	v15 =	vld [tilespmem:s14+$0x40]  }
0x233: {  	v14 =	vadd.f32 v14, v17;
	v17 =	vld [tilespmem:s23+$0x20]  }
0x234: {  	v12 =	vadd.f32 v13, v12;
	v13 =	vld [tilespmem:s28+$0x20]  }
0x235: {  	v18 =	vld [tilespmem:s9+$0x20];
	v16 =	vmul.f32 v16, v6  }
0x236: {  	[tilespmem:s22+$0xFFFFFF20] =	vst v12;
	v12 =	vld [tilespmem:s8+$0x20]  }
0x237: {  	v19 =	vld [tilespmem:s6+$0x20];
	v11 =	vadd.f32 v16, v11;
	v10 =	vmul.f32 v15, v10  }
0x238: {  	v15 =	vld [tilespmem:s5+$0x20];
	v16 =	vmul.f32 v17, v3  }
0x239: {  	v17 =	vld [tilespmem:s1+$0x30];
	v10 =	vadd.f32 v10, v11  }
0x23a: {  	v11 =	vld [tilespmem:s11+$0x30];
	v13 =	vmul.f32 v18, v13  }
0x23b: {  	v18 =	vld [tilespmem:s12+$0x30];
	v12 =	vadd.f32 v16, v12;
	[tilespmem:s22+$0xC0] =	vst v10  }
0x23c: {  	v10 =	vadd.f32 v13, v14;
	v13 =	vld [tilespmem:s16+$0x50]  }
0x23d: {  	v14 =	vmul.f32 v15, v19;
	v15 =	vld [tilespmem:s15+$0x50]  }
0x23e: {  	v16 =	vmul.f32 v17, v5;
	[tilespmem:s22+$0xFFFFFFA0] =	vst v10;
	v10 =	vld [tilespmem:s18+$0x50]  }
0x23f: {  	v12 =	vadd.f32 v14, v12;
	v14 =	vld [tilespmem:s14+$0x50]  }
0x240: {  	v11 =	vadd.f32 v16, v11;
	v16 =	vld [tilespmem:s31+$0x30]  }
0x241: {  	v17 =	vld [tilespmem:s0+$0x30];
	[tilespmem:s22+$0x20] =	vst v12  }
0x242: {  	v12 =	vld [tilespmem:s23+$0x30];
	v15 =	vmul.f32 v15, v6  }
0x243: {  	v19 =	vld [tilespmem:s26+$0x30]  }
0x244: {  	v20 =	vld [tilespmem:s28+$0x30];
	v13 =	vadd.f32 v15, v13;
	v10 =	vmul.f32 v14, v10  }
0x245: {  	v14 =	vld [tilespmem:s9+$0x30];
	v15 =	vmul.f32 v16, v4  }
0x246: {  	v16 =	vmul.f32 v17, v18;
	v17 =	vld [tilespmem:s8+$0x30];
	v10 =	vadd.f32 v10, v13  }
0x247: {  	v13 =	vld [tilespmem:s6+$0x30];
	v12 =	vmul.f32 v12, v3  }
0x248: {  	v11 =	vadd.f32 v16, v11;
	v15 =	vadd.f32 v15, v19;
	v16 =	vld [tilespmem:s5+$0x30];
	[tilespmem:s22+$0xD0] =	vst v10  }
0x249: {  	v10 =	vld [tilespmem:s16+$0x60]  }
0x24a: {  	[tilespmem:s22+$0xFFFFFF30] =	vst v11;
	v11 =	vmul.f32 v14, v20;
	v14 =	vld [tilespmem:s15+$0x60]  }
0x24b: {  	v12 =	vadd.f32 v12, v17;
	v17 =	vld [tilespmem:s18+$0x60]  }
0x24c: {  	v11 =	vadd.f32 v11, v15;
	v15 =	vld [tilespmem:s14+$0x60]  }
0x24d: {  	v18 =	vld [tilespmem:s1+$0x40];
	v13 =	vmul.f32 v16, v13  }
0x24e: {  	v16 =	vld [tilespmem:s11+$0x40];
	[tilespmem:s22+$0xFFFFFFB0] =	vst v11  }
0x24f: {  	v11 =	vld [tilespmem:s31+$0x40];
	v12 =	vadd.f32 v13, v12;
	v13 =	vmul.f32 v14, v6  }
0x250: {  	v14 =	vld [tilespmem:s12+$0x40]  }
0x251: {  	v19 =	vld [tilespmem:s0+$0x40];
	[tilespmem:s22+$0x30] =	vst v12;
	v10 =	vadd.f32 v13, v10;
	v12 =	vmul.f32 v15, v17  }
0x252: {  	v13 =	vmul.f32 v18, v5;
	v15 =	vld [tilespmem:s23+$0x40]  }
0x253: {  	v17 =	vld [tilespmem:s26+$0x40];
	v10 =	vadd.f32 v12, v10  }
0x254: {  	v12 =	vadd.f32 v13, v16;
	v13 =	vld [tilespmem:s28+$0x40];
	v11 =	vmul.f32 v11, v4  }
0x255: {  	v16 =	vld [tilespmem:s9+$0x40];
	[tilespmem:s22+$0xE0] =	vst v10  }
0x256: {  	v10 =	vmul.f32 v19, v14;
	v14 =	vld [tilespmem:s16+$0x70]  }
0x257: {  	v15 =	vmul.f32 v15, v3;
	v18 =	vld [tilespmem:s15+$0x70]  }
0x258: {  	v10 =	vadd.f32 v10, v12;
	v11 =	vadd.f32 v11, v17;
	v12 =	vld [tilespmem:s18+$0x70]  }
0x259: {  	v17 =	vld [tilespmem:s14+$0x70]  }
0x25a: {  	[tilespmem:s22+$0xFFFFFF40] =	vst v10;
	v10 =	vmul.f32 v16, v13;
	v13 =	vld [tilespmem:s8+$0x40]  }
0x25b: {  	v16 =	vld [tilespmem:s6+$0x40]  }
0x25c: {  	v10 =	vadd.f32 v10, v11;
	v11 =	vld [tilespmem:s5+$0x40];
	v6 =	vmul.f32 v18, v6  }
0x25d: {  	v18 =	vld [tilespmem:s1+$0x50]  }
0x25e: {  	v19 =	vld [tilespmem:s11+$0x50];
	[tilespmem:s22+$0xFFFFFFC0] =	vst v10;
	v6 =	vadd.f32 v6, v14;
	v10 =	vmul.f32 v17, v12  }
0x25f: {  	v12 =	vld [tilespmem:s31+$0x50];
	v13 =	vadd.f32 v15, v13  }
0x260: {  	v14 =	vld [tilespmem:s12+$0x50];
	v6 =	vadd.f32 v10, v6  }
0x261: {  	v10 =	vld [tilespmem:s0+$0x50];
	v11 =	vmul.f32 v11, v16  }
0x262: {  	v15 =	vmul.f32 v18, v5;
	v16 =	vld [tilespmem:s26+$0x50];
	[tilespmem:s22+$0xF0] =	vst v6  }
0x263: {  	v6 =	vld [tilespmem:s28+$0x50];
	v11 =	vadd.f32 v11, v13  }
0x264: {  	v13 =	vadd.f32 v15, v19;
	v15 =	vld [tilespmem:s9+$0x50];
	v12 =	vmul.f32 v12, v4  }
0x265: {  	[tilespmem:s22+$0x40] =	vst v11;
	v11 =	vld [tilespmem:s25+$0x70];
	s25 =	smov.u32 s9  }
0x266: {  	v10 =	vmul.f32 v10, v14;
	v14 =	vld [tilespmem:s23+$0x50]  }
0x267: {  	v12 =	vadd.f32 v12, v16;
	v16 =	vld [tilespmem:s8+$0x50]  }
0x268: {  	v10 =	vadd.f32 v10, v13;
	v13 =	vld [tilespmem:s6+$0x50]  }
0x269: {  	v6 =	vmul.f32 v15, v6;
	v15 =	vld [tilespmem:s5+$0x50]  }
0x26a: {  	[tilespmem:s22+$0xFFFFFF50] =	vst v10;
	v8 =	vmul.f32 v11, v8;
	v10 =	vld [tilespmem:s29+$0x70];
	s29 =	smov.u32 s8  }
0x26b: {  	v11 =	vld [tilespmem:s1+$0x60];
	v6 =	vadd.f32 v6, v12;
	v12 =	vmul.f32 v14, v3  }
0x26c: {  	v14 =	vld [tilespmem:s11+$0x60];
	v8 =	vadd.f32 v8, v9  }
0x26d: {  	v9 =	vld [tilespmem:s12+$0x60];
	[tilespmem:s22+$0xFFFFFFD0] =	vst v6;
	v6 =	vadd.f32 v12, v16  }
0x26e: {  	v12 =	vld [tilespmem:s31+$0x60];
	v13 =	vmul.f32 v15, v13;
	[tilespmem:s20+$0xFFFFFFF0] =	vst v8  }
0x26f: {  	v8 =	vld [tilespmem:s0+$0x60];
	v7 =	vadd.f32 v7, v10  }
0x270: {  	v10 =	vmul.f32 v11, v5;
	v11 =	vld [tilespmem:s26+$0x60];
	v6 =	vadd.f32 v13, v6  }
0x271: {  	v13 =	vld [tilespmem:s28+$0x60]  }
0x272: {  	v14 =	vadd.f32 v10, v14;
	v15 =	vld [tilespmem:s25+$0x60];
	[tilespmem:s22+$0x50] =	vst v6  }
0x273: {  	v6 =	vmul.f32 v12, v4;
	v16 =	vld [tilespmem:s23+$0x60]  }
.Ltmp0:
0x274: {  	v8 =	vmul.f32 v8, v9;
	v10 =	vld [tilespmem:s29+$0x60];
	(pc) =	sbr.rel @p0 .LBB2_2-.Ltmp0, $4  }
0x275: {  	v12 =	vadd.f32 v6, v11;
	v9 =	vld [tilespmem:s6+$0x60]  }
0x276: {  	v6 =	vadd.f32 v8, v14;
	v11 =	vld [tilespmem:s5+$0x60]  }
0x277: {  	v13 =	vmul.f32 v15, v13;
	v8 =	vld [tilespmem:s30+$0x70];
	s30 =	smov.u32 s6  }
0x278: {  	[tilespmem:s22+$0xFFFFFF60] =	vst v6;
	v14 =	vmul.f32 v16, v3;
	v6 =	vld [tilespmem:s24+$0x70];
	s24 =	smov.u32 s5  }
0x279: {  	v15 =	vld [tilespmem:s1+$0x70]  }
0x27a: {  	v12 =	vadd.f32 v13, v12;
	v56 =	vld [tilespmem:s11+$0x70]  }
0x27b: {  	v57 =	vld [tilespmem:s12+$0x70]  }
0x27c: {  	v59 =	vld [tilespmem:s0+$0x70];
	v10 =	vadd.f32 v14, v10;
	v9 =	vmul.f32 v11, v9;
	[tilespmem:s22+$0xFFFFFFE0] =	vst v12  }
0x27d: {  	v58 =	vld [tilespmem:s31+$0x70]  }
0x27e: {  	v60 =	vld [tilespmem:s26+$0x70];
	v9 =	vadd.f32 v9, v10  }
0x27f: {  	v16 =	vld [tilespmem:s28+$0x70]  }
0x280: {  	v17 =	vld [tilespmem:s25+$0x70];
	[tilespmem:s22+$0x60] =	vst v9  }
0x281: {  	v9 =	vld [tilespmem:s23+$0x70]  }
0x282: {  	v18 =	vld [tilespmem:s29+$0x70]  }
0x283: {  	v19 =	vld [tilespmem:s30+$0x70]  }
0x284: {  	v20 =	vld [tilespmem:s24+$0x70]  }
0x285: {  	v5 =	vmul.f32 v15, v5  }
0x286: {  	v6 =	vmul.f32 v6, v8;
	v4 =	vmul.f32 v58, v4  }
0x287: {  	v61 =	vmul.f32 v59, v57;
	v5 =	vadd.f32 v5, v56;
	v3 =	vmul.f32 v9, v3  }
0x288: {  	v6 =	vadd.f32 v6, v7;
	v62 =	vmul.f32 v17, v16;
	v4 =	vadd.f32 v4, v60  }
0x289: {  	v5 =	vadd.f32 v61, v5;
	v63 =	vmul.f32 v20, v19;
	v3 =	vadd.f32 v3, v18  }
0x28a: {  	[tilespmem:s20+$0x70] =	vst v6;
	v4 =	vadd.f32 v62, v4  }
0x28b: {  	[tilespmem:s22+$0xFFFFFF70] =	vst v5;
	v3 =	vadd.f32 v63, v3  }
0x28c: {  	[tilespmem:s22+$0xFFFFFFF0] =	vst v4  }
0x28d: {  	s8 =	simm.s32 $0x0;
	[tilespmem:s22+$0x70] =	vst v3  }
0x28e: {  	s1 =	simm.s32 $0x3;
	s30 =	simm.s32 $0x14100;
	s29 =	rddreg [dreg:$0x8]  }
0x28f: {  	[hbm4b:s29+s8] =	stream.linear.scatter [tilespmem:s30], [sflag:$0x3], $0x4000, $0x38;
	[tilespmem:$0x18100] =	vst v63  }
0x290: {  	_ =	swait.ge [sflag:s1], $0x4000  }
0x291: {  	s2 =	rddreg [dreg:$0xa]  }
0x292: {  	s31 =	rddreg [dreg:$0x9];
	s2 =	sadd.s32 $0x1, s2  }
0x293: {  	p0 =	sne.s32 s2, s31  }
.Ltmp1:
0x294: {  	_ = 	snop;
	(pc) =	sbr.rel @p0 .LBB2_1-.Ltmp1, $3  }
0x295: {  	_ =	sdelay $0x1  }
0x296: {  	[sflag:s1] =	ssyncset.done $0x0  }
0x297: {  	[sflag:s1] =	ssyncadd.s32 $0xFFFFC000  }
0x298: {  	_ =	sfence.sel $0x180000  }
0x299: {  	[bflag:$0x0] =	sbarrier.arrive $0xFFFF  }
0x29a: {  	_ =	strace $0x90000047  }
0x29b: {  	s0 =	stileid.u32;
	[bflag:$0x2] =	sbarrier.arrive $0xFFFF  }
0x29c: {  	p0 =	sne.s32 s0, $0x0;
	s0 =	rddreg [dreg:$0x2]  }
0x29d: {  	s0 =	sadd.s32 @!p0 $0x100000, s0  }
0x29e: {  	[sflag:s0] =	ssyncadd.tile.s32 @!p0 $0x1;
	_ =	shalt  }
.Lfunc_end2:
_tile_overlayer_lowered:
.L_overlay_start_2:
0x29f: {  	(tag) =	ssettag $0x2  }
0x2a0: {  	s0 =	rddreg [dreg:$0x0];
	s2 =	stileid.u32  }
0x2a1: {  	s1 =	rddreg [dreg:$0x1];
	p0 =	sne.s32 s2, $0x0  }
0x2a2: {  	s3 =	rddreg [dreg:$0x2];
	[bflag:$0x3] =	sbarrier.arrive $0xFFFF;
	s2 =	simm.s32 @!p0 $0x1C03  }
0x2a3: {  	[timem:s3], [sflag:s2] =	dma.local @!p0 [hbm:s0], s1  }
0x2a4: {  	s0 =	simm.s32 @!p0 $0x3  }
0x2a5: {  	_ =	swait.ge @!p0 [sflag:s0], s1  }
0x2a6: {  	s1 =	ssub.s32 @!p0 $0x0, s1;
	[sflag:s0] =	ssyncset.done @!p0 $0x0  }
0x2a7: {  	[sflag:s0] =	ssyncadd.s32 @!p0 s1  }
0x2a8: {  	[bflag:$0x3] =	sbarrier.arrive $0xFFFF  }
0x2a9: {  	_ =	shalt  }

</sc_bundles>
